<compile_context>
chip_gen: v7x
topology: tpu7x:2x2x1
jax: 0.10.2.dev20260603
libtpu: 0.0.44.dev20260713+nightly
codegen_flags: <defaults>
</compile_context>

<pallas_src>
import functools
import jax
import jax.numpy as jnp
from jax import lax
from jax.experimental import pallas as pl
from jax.experimental.pallas import tpu as pltpu
from jax.experimental.pallas import tpu_sc as plsc

BATCH = 16384
HIST = 50
EMBED_DIM = 64
TOTAL = BATCH * HIST

NUM_WORKERS = 32
ROWS_PER_WORKER = TOTAL // NUM_WORKERS
CHUNK = 512
KSUB = CHUNK // 128
NCHUNKS = ROWS_PER_WORKER // CHUNK


def _sc_gather(x2d, table):
    mesh = plsc.VectorSubcoreMesh(core_axis_name="c", subcore_axis_name="s")

    @functools.partial(
        pl.kernel,
        mesh=mesh,
        out_type=jax.ShapeDtypeStruct((TOTAL, EMBED_DIM), jnp.float32),
        scratch_types=[
            pltpu.VMEM((2, KSUB, 128), jnp.int32),
            pltpu.VMEM((2, CHUNK, EMBED_DIM), jnp.float32),
            pltpu.SemaphoreType.DMA((2,)),
            pltpu.SemaphoreType.DMA((2,)),
        ],
        compiler_params=pltpu.CompilerParams(use_tc_tiling_on_sc=False),
    )
    def k(x_hbm, table_hbm, out_hbm, idx_v, rows_v, gsem, wsem):
        wid = lax.axis_index("s") * 2 + lax.axis_index("c")
        row0 = wid * (ROWS_PER_WORKER // 128)

        def fire_gathers(ch, b):
            for j in range(KSUB):
                pltpu.async_copy(
                    table_hbm.at[idx_v.at[b, j]],
                    rows_v.at[b, pl.ds(j * 128, 128)],
                    gsem.at[b])

        def wait_gathers(ch, b):
            for j in range(KSUB):
                pltpu.make_async_copy(
                    table_hbm.at[idx_v.at[b, j]],
                    rows_v.at[b, pl.ds(j * 128, 128)],
                    gsem.at[b]).wait()

        def start_write(ch, b):
            pltpu.async_copy(
                rows_v.at[b],
                out_hbm.at[pl.ds((row0 + ch * KSUB) * 128, CHUNK)],
                wsem.at[b])

        def wait_write(ch, b):
            pltpu.make_async_copy(
                rows_v.at[b],
                out_hbm.at[pl.ds((row0 + ch * KSUB) * 128, CHUNK)],
                wsem.at[b]).wait()

        def load_idx(ch, b):
            pltpu.sync_copy(x_hbm.at[pl.ds(row0 + ch * KSUB, KSUB)],
                            idx_v.at[b])

        load_idx(0, 0)
        fire_gathers(0, 0)
        load_idx(1, 1)
        fire_gathers(1, 1)

        def step(t, carry):
            for b in range(2):
                ch = 2 * t + b
                wait_gathers(ch, b)
                start_write(ch, b)
                load_idx(ch + 2, b)
                wait_write(ch, b)
                fire_gathers(ch + 2, b)
            return carry

        lax.fori_loop(0, NCHUNKS // 2 - 1, step, 0)

        for b in range(2):
            ch = NCHUNKS - 2 + b
            wait_gathers(ch, b)
            start_write(ch, b)
        for b in range(2):
            wait_write(NCHUNKS - 2 + b, b)

    return k(x2d, table)


def kernel(x, table):
    x2d = jnp.reshape(x.astype(jnp.int32), (TOTAL // 128, 128))
    out = _sc_gather(x2d, table)
    return jnp.reshape(out, (BATCH, HIST, EMBED_DIM))

# --- scband reference (transcript-rebuilt; emitter-appended) ---
"""Pipeline reference for scband-embadding-26637387170132 (READ-ONLY COPY).

The authoritative reference and input builder live on the scoring server;
editing this copy changes nothing except your own understanding.
"""

import jax, jax.numpy as jnp
import numpy as np

VOCAB = 1000000
EMBED_DIM = 64
BATCH = 16384
HIST = 50

def setup_inputs(seed: int = 0) -> dict:
    key = jax.random.key(seed)
    k1, k2 = jax.random.split(key)
    x = jax.random.randint(k1, (BATCH, HIST), 0, VOCAB, dtype=jnp.int64 if jax.config.jax_enable_x64 else jnp.int32)
    table = jax.random.normal(k2, (VOCAB, EMBED_DIM), dtype=jnp.float32)
    return {"x": x, "table": table}

def reference(x, table):
    # nn.Embedding forward: gather rows of the embedding table
    return jnp.take(table, x, axis=0)

if __name__ == "__main__":
    import jax
    _d = setup_inputs()
    print(jax.jit(kernel)(*tuple(_d.values())))

</pallas_src>

<mosaic_0001>
#map = affine_map<(d0, d1) -> (0, 0)>
module attributes {stable_mosaic.version = 14 : i64} {
  func.func @k(%arg0: i32, %arg1: i32, %arg2: memref<6400x128xi32, #tpu.memory_space<hbm>>, %arg3: memref<1000000x64xf32, #tpu.memory_space<hbm>>, %arg4: memref<819200x64xf32, #tpu.memory_space<hbm>>, %arg5: memref<2x4x128xi32, #tpu.memory_space<vmem>>, %arg6: memref<2x512x64xf32, #tpu.memory_space<vmem>>, %arg7: memref<2x!tpu.dma_semaphore, #tpu.memory_space<semaphore_mem>>, %arg8: memref<2x!tpu.dma_semaphore, #tpu.memory_space<semaphore_mem>>) attributes {dimension_semantics = [#tpu.dimension_semantics<core_parallel>, #tpu.dimension_semantics<subcore_parallel>], iteration_bounds = array<i64: 2, 16>, scalar_prefetch = 0 : i64, scratch_operands = 4 : i64, tpu.core_type = #tpu.core_type<sc_vector_subcore>, window_params = [{transform_indices = #map}, {transform_indices = #map}, {transform_indices = #map}]} {
    %mul3A = arith.constant 2 : i32
    %mul3A_0 = arith.muli %arg1, %mul3A : i32
    %add3A = arith.addi %mul3A_0, %arg0 : i32
    %mul3A_1 = arith.constant 200 : i32
    %mul3A_2 = arith.muli %add3A, %mul3A_1 : i32
    %add3A_3 = arith.constant 0 : i32
    %add3A_4 = arith.addi %mul3A_2, %add3A_3 : i32
    %run_scoped3A = arith.constant 0 : i32
    "tpu.region"() ({
      %run_scoped3A_347 = tpu.sem_alloc : memref<!tpu.dma_semaphore, #tpu.memory_space<semaphore_mem>>
      %dma_start3A_348 = arith.constant 0 : i32
      %dma_start3A_349 = arith.constant 0 : i32
      %dma_start3A_350 = tpu.memref_slice %arg5[%run_scoped3A, %dma_start3A_348, %dma_start3A_349] : memref<2x4x128xi32, #tpu.memory_space<vmem>> -> memref<1x4x128xi32, #tpu.memory_space<vmem>>
      %dma_start3A_351 = tpu.memref_squeeze %dma_start3A_350 : memref<1x4x128xi32, #tpu.memory_space<vmem>> -> memref<4x128xi32, #tpu.memory_space<vmem>>
      %dma_start3A_352 = arith.constant 0 : i32
      %dma_start3A_353 = tpu.memref_slice %arg2[%add3A_4, %dma_start3A_352] : memref<6400x128xi32, #tpu.memory_space<hbm>> -> memref<4x128xi32, #tpu.memory_space<hbm>>
      %dma_start3A_354 = arith.constant 0 : i32
      %dma_start3A_355 = arith.constant 0 : i32
      %dma_start3A_356 = tpu.memref_slice %arg5[%run_scoped3A, %dma_start3A_354, %dma_start3A_355] : memref<2x4x128xi32, #tpu.memory_space<vmem>> -> memref<1x4x128xi32, #tpu.memory_space<vmem>>
      %dma_start3A_357 = tpu.memref_squeeze %dma_start3A_356 : memref<1x4x128xi32, #tpu.memory_space<vmem>> -> memref<4x128xi32, #tpu.memory_space<vmem>>
      %dma_start3A_358 = arith.constant 0 : i32
      %dma_start3A_359 = tpu.memref_slice %arg2[%add3A_4, %dma_start3A_358] : memref<6400x128xi32, #tpu.memory_space<hbm>> -> memref<4x128xi32, #tpu.memory_space<hbm>>
      tpu.enqueue_dma source(%dma_start3A_359 : memref<4x128xi32, #tpu.memory_space<hbm>>) target(%dma_start3A_357 : memref<4x128xi32, #tpu.memory_space<vmem>>) target_semaphore(%run_scoped3A_347 : memref<!tpu.dma_semaphore, #tpu.memory_space<semaphore_mem>>)
      %dma_wait3A_360 = arith.constant 0 : i32
      %dma_wait3A_361 = arith.constant 0 : i32
      %dma_wait3A_362 = tpu.memref_slice %arg5[%run_scoped3A, %dma_wait3A_360, %dma_wait3A_361] : memref<2x4x128xi32, #tpu.memory_space<vmem>> -> memref<1x4x128xi32, #tpu.memory_space<vmem>>
      %dma_wait3A_363 = tpu.memref_squeeze %dma_wait3A_362 : memref<1x4x128xi32, #tpu.memory_space<vmem>> -> memref<4x128xi32, #tpu.memory_space<vmem>>
      %dma_wait3A_364 = arith.constant 0 : i32
      %dma_wait3A_365 = tpu.memref_slice %arg2[%add3A_4, %dma_wait3A_364] : memref<6400x128xi32, #tpu.memory_space<hbm>> -> memref<4x128xi32, #tpu.memory_space<hbm>>
      %dma_wait3A_366 = arith.constant 0 : i32
      %dma_wait3A_367 = arith.constant 0 : i32
      %dma_wait3A_368 = tpu.memref_slice %arg5[%run_scoped3A, %dma_wait3A_366, %dma_wait3A_367] : memref<2x4x128xi32, #tpu.memory_space<vmem>> -> memref<1x4x128xi32, #tpu.memory_space<vmem>>
      %dma_wait3A_369 = tpu.memref_squeeze %dma_wait3A_368 : memref<1x4x128xi32, #tpu.memory_space<vmem>> -> memref<4x128xi32, #tpu.memory_space<vmem>>
      %dma_wait3A_370 = arith.constant 0 : i32
      %dma_wait3A_371 = tpu.memref_slice %arg2[%add3A_4, %dma_wait3A_370] : memref<6400x128xi32, #tpu.memory_space<hbm>> -> memref<4x128xi32, #tpu.memory_space<hbm>>
      tpu.wait_dma2 semaphore(%run_scoped3A_347 : memref<!tpu.dma_semaphore, #tpu.memory_space<semaphore_mem>>) src(%dma_wait3A_371 : memref<4x128xi32, #tpu.memory_space<hbm>>) dst(%dma_wait3A_369 : memref<4x128xi32, #tpu.memory_space<vmem>>)
      tpu.yield
    }) : () -> ()
    %dma_start3A = arith.constant 0 : i32
    %dma_start3A_5 = arith.constant 0 : i32
    %dma_start3A_6 = arith.constant 0 : i32
    %dma_start3A_7 = arith.constant 0 : i32
    %dma_start3A_8 = arith.constant 0 : i32
    %dma_start3A_9 = arith.constant 0 : i32
    %dma_start3A_10 = tpu.memref_slice %arg6[%dma_start3A_6, %dma_start3A_8, %dma_start3A_9] : memref<2x512x64xf32, #tpu.memory_space<vmem>> -> memref<1x128x64xf32, #tpu.memory_space<vmem>>
    %dma_start3A_11 = tpu.memref_squeeze %dma_start3A_10 : memref<1x128x64xf32, #tpu.memory_space<vmem>> -> memref<128x64xf32, #tpu.memory_space<vmem>>
    %dma_start3A_12 = arith.constant 0 : i32
    %dma_start3A_13 = tpu.memref_slice %arg5[%dma_start3A, %dma_start3A_5, %dma_start3A_12] : memref<2x4x128xi32, #tpu.memory_space<vmem>> -> memref<1x1x128xi32, #tpu.memory_space<vmem>>
    %dma_start3A_14 = tpu.memref_squeeze %dma_start3A_13 : memref<1x1x128xi32, #tpu.memory_space<vmem>> -> memref<128xi32, #tpu.memory_space<vmem>>
    %dma_start3A_15 = arith.constant 0 : i32
    %dma_start3A_16 = arith.constant 0 : i32
    %dma_start3A_17 = tpu.memref_slice %arg3[%dma_start3A_15, %dma_start3A_16] : memref<1000000x64xf32, #tpu.memory_space<hbm>> -> memref<1000000x64xf32, #tpu.memory_space<hbm>>
    %dma_start3A_18 = tpu.memref_slice %arg7[%dma_start3A_7] : memref<2x!tpu.dma_semaphore, #tpu.memory_space<semaphore_mem>> -> memref<1x!tpu.dma_semaphore, #tpu.memory_space<semaphore_mem>>
    %dma_start3A_19 = tpu.memref_squeeze %dma_start3A_18 : memref<1x!tpu.dma_semaphore, #tpu.memory_space<semaphore_mem>> -> memref<!tpu.dma_semaphore, #tpu.memory_space<semaphore_mem>>
    tpu.enqueue_indirect_dma source(%dma_start3A_17 : memref<1000000x64xf32, #tpu.memory_space<hbm>>) target(%dma_start3A_11 : memref<128x64xf32, #tpu.memory_space<vmem>>) offsets(%dma_start3A_14 : memref<128xi32, #tpu.memory_space<vmem>>) semaphore(%dma_start3A_19 : memref<!tpu.dma_semaphore, #tpu.memory_space<semaphore_mem>>)
    %dma_start3A_20 = arith.constant 0 : i32
    %dma_start3A_21 = arith.constant 1 : i32
    %dma_start3A_22 = arith.constant 0 : i32
    %dma_start3A_23 = arith.constant 0 : i32
    %dma_start3A_24 = arith.constant 128 : i32
    %dma_start3A_25 = arith.constant 0 : i32
    %dma_start3A_26 = tpu.memref_slice %arg6[%dma_start3A_22, %dma_start3A_24, %dma_start3A_25] : memref<2x512x64xf32, #tpu.memory_space<vmem>> -> memref<1x128x64xf32, #tpu.memory_space<vmem>>
    %dma_start3A_27 = tpu.memref_squeeze %dma_start3A_26 : memref<1x128x64xf32, #tpu.memory_space<vmem>> -> memref<128x64xf32, #tpu.memory_space<vmem>>
    %dma_start3A_28 = arith.constant 0 : i32
    %dma_start3A_29 = tpu.memref_slice %arg5[%dma_start3A_20, %dma_start3A_21, %dma_start3A_28] : memref<2x4x128xi32, #tpu.memory_space<vmem>> -> memref<1x1x128xi32, #tpu.memory_space<vmem>>
    %dma_start3A_30 = tpu.memref_squeeze %dma_start3A_29 : memref<1x1x128xi32, #tpu.memory_space<vmem>> -> memref<128xi32, #tpu.memory_space<vmem>>
    %dma_start3A_31 = arith.constant 0 : i32
    %dma_start3A_32 = arith.constant 0 : i32
    %dma_start3A_33 = tpu.memref_slice %arg3[%dma_start3A_31, %dma_start3A_32] : memref<1000000x64xf32, #tpu.memory_space<hbm>> -> memref<1000000x64xf32, #tpu.memory_space<hbm>>
    %dma_start3A_34 = tpu.memref_slice %arg7[%dma_start3A_23] : memref<2x!tpu.dma_semaphore, #tpu.memory_space<semaphore_mem>> -> memref<1x!tpu.dma_semaphore, #tpu.memory_space<semaphore_mem>>
    %dma_start3A_35 = tpu.memref_squeeze %dma_start3A_34 : memref<1x!tpu.dma_semaphore, #tpu.memory_space<semaphore_mem>> -> memref<!tpu.dma_semaphore, #tpu.memory_space<semaphore_mem>>
    tpu.enqueue_indirect_dma source(%dma_start3A_33 : memref<1000000x64xf32, #tpu.memory_space<hbm>>) target(%dma_start3A_27 : memref<128x64xf32, #tpu.memory_space<vmem>>) offsets(%dma_start3A_30 : memref<128xi32, #tpu.memory_space<vmem>>) semaphore(%dma_start3A_35 : memref<!tpu.dma_semaphore, #tpu.memory_space<semaphore_mem>>)
    %dma_start3A_36 = arith.constant 0 : i32
    %dma_start3A_37 = arith.constant 2 : i32
    %dma_start3A_38 = arith.constant 0 : i32
    %dma_start3A_39 = arith.constant 0 : i32
    %dma_start3A_40 = arith.constant 256 : i32
    %dma_start3A_41 = arith.constant 0 : i32
    %dma_start3A_42 = tpu.memref_slice %arg6[%dma_start3A_38, %dma_start3A_40, %dma_start3A_41] : memref<2x512x64xf32, #tpu.memory_space<vmem>> -> memref<1x128x64xf32, #tpu.memory_space<vmem>>
    %dma_start3A_43 = tpu.memref_squeeze %dma_start3A_42 : memref<1x128x64xf32, #tpu.memory_space<vmem>> -> memref<128x64xf32, #tpu.memory_space<vmem>>
    %dma_start3A_44 = arith.constant 0 : i32
    %dma_start3A_45 = tpu.memref_slice %arg5[%dma_start3A_36, %dma_start3A_37, %dma_start3A_44] : memref<2x4x128xi32, #tpu.memory_space<vmem>> -> memref<1x1x128xi32, #tpu.memory_space<vmem>>
    %dma_start3A_46 = tpu.memref_squeeze %dma_start3A_45 : memref<1x1x128xi32, #tpu.memory_space<vmem>> -> memref<128xi32, #tpu.memory_space<vmem>>
    %dma_start3A_47 = arith.constant 0 : i32
    %dma_start3A_48 = arith.constant 0 : i32
    %dma_start3A_49 = tpu.memref_slice %arg3[%dma_start3A_47, %dma_start3A_48] : memref<1000000x64xf32, #tpu.memory_space<hbm>> -> memref<1000000x64xf32, #tpu.memory_space<hbm>>
    %dma_start3A_50 = tpu.memref_slice %arg7[%dma_start3A_39] : memref<2x!tpu.dma_semaphore, #tpu.memory_space<semaphore_mem>> -> memref<1x!tpu.dma_semaphore, #tpu.memory_space<semaphore_mem>>
    %dma_start3A_51 = tpu.memref_squeeze %dma_start3A_50 : memref<1x!tpu.dma_semaphore, #tpu.memory_space<semaphore_mem>> -> memref<!tpu.dma_semaphore, #tpu.memory_space<semaphore_mem>>
    tpu.enqueue_indirect_dma source(%dma_start3A_49 : memref<1000000x64xf32, #tpu.memory_space<hbm>>) target(%dma_start3A_43 : memref<128x64xf32, #tpu.memory_space<vmem>>) offsets(%dma_start3A_46 : memref<128xi32, #tpu.memory_space<vmem>>) semaphore(%dma_start3A_51 : memref<!tpu.dma_semaphore, #tpu.memory_space<semaphore_mem>>)
    %dma_start3A_52 = arith.constant 0 : i32
    %dma_start3A_53 = arith.constant 3 : i32
    %dma_start3A_54 = arith.constant 0 : i32
    %dma_start3A_55 = arith.constant 0 : i32
    %dma_start3A_56 = arith.constant 384 : i32
    %dma_start3A_57 = arith.constant 0 : i32
    %dma_start3A_58 = tpu.memref_slice %arg6[%dma_start3A_54, %dma_start3A_56, %dma_start3A_57] : memref<2x512x64xf32, #tpu.memory_space<vmem>> -> memref<1x128x64xf32, #tpu.memory_space<vmem>>
    %dma_start3A_59 = tpu.memref_squeeze %dma_start3A_58 : memref<1x128x64xf32, #tpu.memory_space<vmem>> -> memref<128x64xf32, #tpu.memory_space<vmem>>
    %dma_start3A_60 = arith.constant 0 : i32
    %dma_start3A_61 = tpu.memref_slice %arg5[%dma_start3A_52, %dma_start3A_53, %dma_start3A_60] : memref<2x4x128xi32, #tpu.memory_space<vmem>> -> memref<1x1x128xi32, #tpu.memory_space<vmem>>
    %dma_start3A_62 = tpu.memref_squeeze %dma_start3A_61 : memref<1x1x128xi32, #tpu.memory_space<vmem>> -> memref<128xi32, #tpu.memory_space<vmem>>
    %dma_start3A_63 = arith.constant 0 : i32
    %dma_start3A_64 = arith.constant 0 : i32
    %dma_start3A_65 = tpu.memref_slice %arg3[%dma_start3A_63, %dma_start3A_64] : memref<1000000x64xf32, #tpu.memory_space<hbm>> -> memref<1000000x64xf32, #tpu.memory_space<hbm>>
    %dma_start3A_66 = tpu.memref_slice %arg7[%dma_start3A_55] : memref<2x!tpu.dma_semaphore, #tpu.memory_space<semaphore_mem>> -> memref<1x!tpu.dma_semaphore, #tpu.memory_space<semaphore_mem>>
    %dma_start3A_67 = tpu.memref_squeeze %dma_start3A_66 : memref<1x!tpu.dma_semaphore, #tpu.memory_space<semaphore_mem>> -> memref<!tpu.dma_semaphore, #tpu.memory_space<semaphore_mem>>
    tpu.enqueue_indirect_dma source(%dma_start3A_65 : memref<1000000x64xf32, #tpu.memory_space<hbm>>) target(%dma_start3A_59 : memref<128x64xf32, #tpu.memory_space<vmem>>) offsets(%dma_start3A_62 : memref<128xi32, #tpu.memory_space<vmem>>) semaphore(%dma_start3A_67 : memref<!tpu.dma_semaphore, #tpu.memory_space<semaphore_mem>>)
    %add3A_68 = arith.constant 4 : i32
    %add3A_69 = arith.addi %mul3A_2, %add3A_68 : i32
    %run_scoped3A_70 = arith.constant 1 : i32
    "tpu.region"() ({
      %run_scoped3A_347 = tpu.sem_alloc : memref<!tpu.dma_semaphore, #tpu.memory_space<semaphore_mem>>
      %dma_start3A_348 = arith.constant 0 : i32
      %dma_start3A_349 = arith.constant 0 : i32
      %dma_start3A_350 = tpu.memref_slice %arg5[%run_scoped3A_70, %dma_start3A_348, %dma_start3A_349] : memref<2x4x128xi32, #tpu.memory_space<vmem>> -> memref<1x4x128xi32, #tpu.memory_space<vmem>>
      %dma_start3A_351 = tpu.memref_squeeze %dma_start3A_350 : memref<1x4x128xi32, #tpu.memory_space<vmem>> -> memref<4x128xi32, #tpu.memory_space<vmem>>
      %dma_start3A_352 = arith.constant 0 : i32
      %dma_start3A_353 = tpu.memref_slice %arg2[%add3A_69, %dma_start3A_352] : memref<6400x128xi32, #tpu.memory_space<hbm>> -> memref<4x128xi32, #tpu.memory_space<hbm>>
      %dma_start3A_354 = arith.constant 0 : i32
      %dma_start3A_355 = arith.constant 0 : i32
      %dma_start3A_356 = tpu.memref_slice %arg5[%run_scoped3A_70, %dma_start3A_354, %dma_start3A_355] : memref<2x4x128xi32, #tpu.memory_space<vmem>> -> memref<1x4x128xi32, #tpu.memory_space<vmem>>
      %dma_start3A_357 = tpu.memref_squeeze %dma_start3A_356 : memref<1x4x128xi32, #tpu.memory_space<vmem>> -> memref<4x128xi32, #tpu.memory_space<vmem>>
      %dma_start3A_358 = arith.constant 0 : i32
      %dma_start3A_359 = tpu.memref_slice %arg2[%add3A_69, %dma_start3A_358] : memref<6400x128xi32, #tpu.memory_space<hbm>> -> memref<4x128xi32, #tpu.memory_space<hbm>>
      tpu.enqueue_dma source(%dma_start3A_359 : memref<4x128xi32, #tpu.memory_space<hbm>>) target(%dma_start3A_357 : memref<4x128xi32, #tpu.memory_space<vmem>>) target_semaphore(%run_scoped3A_347 : memref<!tpu.dma_semaphore, #tpu.memory_space<semaphore_mem>>)
      %dma_wait3A_360 = arith.constant 0 : i32
      %dma_wait3A_361 = arith.constant 0 : i32
      %dma_wait3A_362 = tpu.memref_slice %arg5[%run_scoped3A_70, %dma_wait3A_360, %dma_wait3A_361] : memref<2x4x128xi32, #tpu.memory_space<vmem>> -> memref<1x4x128xi32, #tpu.memory_space<vmem>>
      %dma_wait3A_363 = tpu.memref_squeeze %dma_wait3A_362 : memref<1x4x128xi32, #tpu.memory_space<vmem>> -> memref<4x128xi32, #tpu.memory_space<vmem>>
      %dma_wait3A_364 = arith.constant 0 : i32
      %dma_wait3A_365 = tpu.memref_slice %arg2[%add3A_69, %dma_wait3A_364] : memref<6400x128xi32, #tpu.memory_space<hbm>> -> memref<4x128xi32, #tpu.memory_space<hbm>>
      %dma_wait3A_366 = arith.constant 0 : i32
      %dma_wait3A_367 = arith.constant 0 : i32
      %dma_wait3A_368 = tpu.memref_slice %arg5[%run_scoped3A_70, %dma_wait3A_366, %dma_wait3A_367] : memref<2x4x128xi32, #tpu.memory_space<vmem>> -> memref<1x4x128xi32, #tpu.memory_space<vmem>>
      %dma_wait3A_369 = tpu.memref_squeeze %dma_wait3A_368 : memref<1x4x128xi32, #tpu.memory_space<vmem>> -> memref<4x128xi32, #tpu.memory_space<vmem>>
      %dma_wait3A_370 = arith.constant 0 : i32
      %dma_wait3A_371 = tpu.memref_slice %arg2[%add3A_69, %dma_wait3A_370] : memref<6400x128xi32, #tpu.memory_space<hbm>> -> memref<4x128xi32, #tpu.memory_space<hbm>>
      tpu.wait_dma2 semaphore(%run_scoped3A_347 : memref<!tpu.dma_semaphore, #tpu.memory_space<semaphore_mem>>) src(%dma_wait3A_371 : memref<4x128xi32, #tpu.memory_space<hbm>>) dst(%dma_wait3A_369 : memref<4x128xi32, #tpu.memory_space<vmem>>)
      tpu.yield
    }) : () -> ()
    %dma_start3A_71 = arith.constant 1 : i32
    %dma_start3A_72 = arith.constant 0 : i32
    %dma_start3A_73 = arith.constant 1 : i32
    %dma_start3A_74 = arith.constant 1 : i32
    %dma_start3A_75 = arith.constant 0 : i32
    %dma_start3A_76 = arith.constant 0 : i32
    %dma_start3A_77 = tpu.memref_slice %arg6[%dma_start3A_73, %dma_start3A_75, %dma_start3A_76] : memref<2x512x64xf32, #tpu.memory_space<vmem>> -> memref<1x128x64xf32, #tpu.memory_space<vmem>>
    %dma_start3A_78 = tpu.memref_squeeze %dma_start3A_77 : memref<1x128x64xf32, #tpu.memory_space<vmem>> -> memref<128x64xf32, #tpu.memory_space<vmem>>
    %dma_start3A_79 = arith.constant 0 : i32
    %dma_start3A_80 = tpu.memref_slice %arg5[%dma_start3A_71, %dma_start3A_72, %dma_start3A_79] : memref<2x4x128xi32, #tpu.memory_space<vmem>> -> memref<1x1x128xi32, #tpu.memory_space<vmem>>
    %dma_start3A_81 = tpu.memref_squeeze %dma_start3A_80 : memref<1x1x128xi32, #tpu.memory_space<vmem>> -> memref<128xi32, #tpu.memory_space<vmem>>
    %dma_start3A_82 = arith.constant 0 : i32
    %dma_start3A_83 = arith.constant 0 : i32
    %dma_start3A_84 = tpu.memref_slice %arg3[%dma_start3A_82, %dma_start3A_83] : memref<1000000x64xf32, #tpu.memory_space<hbm>> -> memref<1000000x64xf32, #tpu.memory_space<hbm>>
    %dma_start3A_85 = tpu.memref_slice %arg7[%dma_start3A_74] : memref<2x!tpu.dma_semaphore, #tpu.memory_space<semaphore_mem>> -> memref<1x!tpu.dma_semaphore, #tpu.memory_space<semaphore_mem>>
    %dma_start3A_86 = tpu.memref_squeeze %dma_start3A_85 : memref<1x!tpu.dma_semaphore, #tpu.memory_space<semaphore_mem>> -> memref<!tpu.dma_semaphore, #tpu.memory_space<semaphore_mem>>
    tpu.enqueue_indirect_dma source(%dma_start3A_84 : memref<1000000x64xf32, #tpu.memory_space<hbm>>) target(%dma_start3A_78 : memref<128x64xf32, #tpu.memory_space<vmem>>) offsets(%dma_start3A_81 : memref<128xi32, #tpu.memory_space<vmem>>) semaphore(%dma_start3A_86 : memref<!tpu.dma_semaphore, #tpu.memory_space<semaphore_mem>>)
    %dma_start3A_87 = arith.constant 1 : i32
    %dma_start3A_88 = arith.constant 1 : i32
    %dma_start3A_89 = arith.constant 1 : i32
    %dma_start3A_90 = arith.constant 1 : i32
    %dma_start3A_91 = arith.constant 128 : i32
    %dma_start3A_92 = arith.constant 0 : i32
    %dma_start3A_93 = tpu.memref_slice %arg6[%dma_start3A_89, %dma_start3A_91, %dma_start3A_92] : memref<2x512x64xf32, #tpu.memory_space<vmem>> -> memref<1x128x64xf32, #tpu.memory_space<vmem>>
    %dma_start3A_94 = tpu.memref_squeeze %dma_start3A_93 : memref<1x128x64xf32, #tpu.memory_space<vmem>> -> memref<128x64xf32, #tpu.memory_space<vmem>>
    %dma_start3A_95 = arith.constant 0 : i32
    %dma_start3A_96 = tpu.memref_slice %arg5[%dma_start3A_87, %dma_start3A_88, %dma_start3A_95] : memref<2x4x128xi32, #tpu.memory_space<vmem>> -> memref<1x1x128xi32, #tpu.memory_space<vmem>>
    %dma_start3A_97 = tpu.memref_squeeze %dma_start3A_96 : memref<1x1x128xi32, #tpu.memory_space<vmem>> -> memref<128xi32, #tpu.memory_space<vmem>>
    %dma_start3A_98 = arith.constant 0 : i32
    %dma_start3A_99 = arith.constant 0 : i32
    %dma_start3A_100 = tpu.memref_slice %arg3[%dma_start3A_98, %dma_start3A_99] : memref<1000000x64xf32, #tpu.memory_space<hbm>> -> memref<1000000x64xf32, #tpu.memory_space<hbm>>
    %dma_start3A_101 = tpu.memref_slice %arg7[%dma_start3A_90] : memref<2x!tpu.dma_semaphore, #tpu.memory_space<semaphore_mem>> -> memref<1x!tpu.dma_semaphore, #tpu.memory_space<semaphore_mem>>
    %dma_start3A_102 = tpu.memref_squeeze %dma_start3A_101 : memref<1x!tpu.dma_semaphore, #tpu.memory_space<semaphore_mem>> -> memref<!tpu.dma_semaphore, #tpu.memory_space<semaphore_mem>>
    tpu.enqueue_indirect_dma source(%dma_start3A_100 : memref<1000000x64xf32, #tpu.memory_space<hbm>>) target(%dma_start3A_94 : memref<128x64xf32, #tpu.memory_space<vmem>>) offsets(%dma_start3A_97 : memref<128xi32, #tpu.memory_space<vmem>>) semaphore(%dma_start3A_102 : memref<!tpu.dma_semaphore, #tpu.memory_space<semaphore_mem>>)
    %dma_start3A_103 = arith.constant 1 : i32
    %dma_start3A_104 = arith.constant 2 : i32
    %dma_start3A_105 = arith.constant 1 : i32
    %dma_start3A_106 = arith.constant 1 : i32
    %dma_start3A_107 = arith.constant 256 : i32
    %dma_start3A_108 = arith.constant 0 : i32
    %dma_start3A_109 = tpu.memref_slice %arg6[%dma_start3A_105, %dma_start3A_107, %dma_start3A_108] : memref<2x512x64xf32, #tpu.memory_space<vmem>> -> memref<1x128x64xf32, #tpu.memory_space<vmem>>
    %dma_start3A_110 = tpu.memref_squeeze %dma_start3A_109 : memref<1x128x64xf32, #tpu.memory_space<vmem>> -> memref<128x64xf32, #tpu.memory_space<vmem>>
    %dma_start3A_111 = arith.constant 0 : i32
    %dma_start3A_112 = tpu.memref_slice %arg5[%dma_start3A_103, %dma_start3A_104, %dma_start3A_111] : memref<2x4x128xi32, #tpu.memory_space<vmem>> -> memref<1x1x128xi32, #tpu.memory_space<vmem>>
    %dma_start3A_113 = tpu.memref_squeeze %dma_start3A_112 : memref<1x1x128xi32, #tpu.memory_space<vmem>> -> memref<128xi32, #tpu.memory_space<vmem>>
    %dma_start3A_114 = arith.constant 0 : i32
    %dma_start3A_115 = arith.constant 0 : i32
    %dma_start3A_116 = tpu.memref_slice %arg3[%dma_start3A_114, %dma_start3A_115] : memref<1000000x64xf32, #tpu.memory_space<hbm>> -> memref<1000000x64xf32, #tpu.memory_space<hbm>>
    %dma_start3A_117 = tpu.memref_slice %arg7[%dma_start3A_106] : memref<2x!tpu.dma_semaphore, #tpu.memory_space<semaphore_mem>> -> memref<1x!tpu.dma_semaphore, #tpu.memory_space<semaphore_mem>>
    %dma_start3A_118 = tpu.memref_squeeze %dma_start3A_117 : memref<1x!tpu.dma_semaphore, #tpu.memory_space<semaphore_mem>> -> memref<!tpu.dma_semaphore, #tpu.memory_space<semaphore_mem>>
    tpu.enqueue_indirect_dma source(%dma_start3A_116 : memref<1000000x64xf32, #tpu.memory_space<hbm>>) target(%dma_start3A_110 : memref<128x64xf32, #tpu.memory_space<vmem>>) offsets(%dma_start3A_113 : memref<128xi32, #tpu.memory_space<vmem>>) semaphore(%dma_start3A_118 : memref<!tpu.dma_semaphore, #tpu.memory_space<semaphore_mem>>)
    %dma_start3A_119 = arith.constant 1 : i32
    %dma_start3A_120 = arith.constant 3 : i32
    %dma_start3A_121 = arith.constant 1 : i32
    %dma_start3A_122 = arith.constant 1 : i32
    %dma_start3A_123 = arith.constant 384 : i32
    %dma_start3A_124 = arith.constant 0 : i32
    %dma_start3A_125 = tpu.memref_slice %arg6[%dma_start3A_121, %dma_start3A_123, %dma_start3A_124] : memref<2x512x64xf32, #tpu.memory_space<vmem>> -> memref<1x128x64xf32, #tpu.memory_space<vmem>>
    %dma_start3A_126 = tpu.memref_squeeze %dma_start3A_125 : memref<1x128x64xf32, #tpu.memory_space<vmem>> -> memref<128x64xf32, #tpu.memory_space<vmem>>
    %dma_start3A_127 = arith.constant 0 : i32
    %dma_start3A_128 = tpu.memref_slice %arg5[%dma_start3A_119, %dma_start3A_120, %dma_start3A_127] : memref<2x4x128xi32, #tpu.memory_space<vmem>> -> memref<1x1x128xi32, #tpu.memory_space<vmem>>
    %dma_start3A_129 = tpu.memref_squeeze %dma_start3A_128 : memref<1x1x128xi32, #tpu.memory_space<vmem>> -> memref<128xi32, #tpu.memory_space<vmem>>
    %dma_start3A_130 = arith.constant 0 : i32
    %dma_start3A_131 = arith.constant 0 : i32
    %dma_start3A_132 = tpu.memref_slice %arg3[%dma_start3A_130, %dma_start3A_131] : memref<1000000x64xf32, #tpu.memory_space<hbm>> -> memref<1000000x64xf32, #tpu.memory_space<hbm>>
    %dma_start3A_133 = tpu.memref_slice %arg7[%dma_start3A_122] : memref<2x!tpu.dma_semaphore, #tpu.memory_space<semaphore_mem>> -> memref<1x!tpu.dma_semaphore, #tpu.memory_space<semaphore_mem>>
    %dma_start3A_134 = tpu.memref_squeeze %dma_start3A_133 : memref<1x!tpu.dma_semaphore, #tpu.memory_space<semaphore_mem>> -> memref<!tpu.dma_semaphore, #tpu.memory_space<semaphore_mem>>
    tpu.enqueue_indirect_dma source(%dma_start3A_132 : memref<1000000x64xf32, #tpu.memory_space<hbm>>) target(%dma_start3A_126 : memref<128x64xf32, #tpu.memory_space<vmem>>) offsets(%dma_start3A_129 : memref<128xi32, #tpu.memory_space<vmem>>) semaphore(%dma_start3A_134 : memref<!tpu.dma_semaphore, #tpu.memory_space<semaphore_mem>>)
    %scan3A = arith.constant 0 : i32
    %scan3A_135 = arith.constant 0 : i32
    %scan3A_136 = arith.constant 24 : i32
    %scan3A_137 = arith.addi %scan3A_135, %scan3A_136 : i32
    %scan3A_138 = arith.constant 1 : i32
    scf.for %scan3A_347 = %scan3A_135 to %scan3A_137 step %scan3A_138  : i32 {
      %mul3A_348 = arith.constant 2 : i32
      %mul3A_349 = arith.muli %mul3A_348, %scan3A_347 : i32
      %add3A_350 = arith.constant 0 : i32
      %add3A_351 = arith.addi %mul3A_349, %add3A_350 : i32
      %dma_wait3A_352 = arith.constant 0 : i32
      %dma_wait3A_353 = arith.constant 0 : i32
      %dma_wait3A_354 = arith.constant 0 : i32
      %dma_wait3A_355 = arith.constant 0 : i32
      %dma_wait3A_356 = arith.constant 0 : i32
      %dma_wait3A_357 = arith.constant 0 : i32
      %dma_wait3A_358 = tpu.memref_slice %arg6[%dma_wait3A_354, %dma_wait3A_356, %dma_wait3A_357] : memref<2x512x64xf32, #tpu.memory_space<vmem>> -> memref<1x128x64xf32, #tpu.memory_space<vmem>>
      %dma_wait3A_359 = tpu.memref_squeeze %dma_wait3A_358 : memref<1x128x64xf32, #tpu.memory_space<vmem>> -> memref<128x64xf32, #tpu.memory_space<vmem>>
      %dma_wait3A_360 = arith.constant 0 : i32
      %dma_wait3A_361 = tpu.memref_slice %arg5[%dma_wait3A_352, %dma_wait3A_353, %dma_wait3A_360] : memref<2x4x128xi32, #tpu.memory_space<vmem>> -> memref<1x1x128xi32, #tpu.memory_space<vmem>>
      %dma_wait3A_362 = tpu.memref_squeeze %dma_wait3A_361 : memref<1x1x128xi32, #tpu.memory_space<vmem>> -> memref<128xi32, #tpu.memory_space<vmem>>
      %dma_wait3A_363 = arith.constant 0 : i32
      %dma_wait3A_364 = arith.constant 0 : i32
      %dma_wait3A_365 = tpu.memref_slice %arg3[%dma_wait3A_363, %dma_wait3A_364] : memref<1000000x64xf32, #tpu.memory_space<hbm>> -> memref<1000000x64xf32, #tpu.memory_space<hbm>>
      %dma_wait3A_366 = tpu.memref_slice %arg7[%dma_wait3A_355] : memref<2x!tpu.dma_semaphore, #tpu.memory_space<semaphore_mem>> -> memref<1x!tpu.dma_semaphore, #tpu.memory_space<semaphore_mem>>
      %dma_wait3A_367 = tpu.memref_squeeze %dma_wait3A_366 : memref<1x!tpu.dma_semaphore, #tpu.memory_space<semaphore_mem>> -> memref<!tpu.dma_semaphore, #tpu.memory_space<semaphore_mem>>
      tpu.wait_indirect_dma semaphore(%dma_wait3A_367 : memref<!tpu.dma_semaphore, #tpu.memory_space<semaphore_mem>>) src(%dma_wait3A_365 : memref<1000000x64xf32, #tpu.memory_space<hbm>>) dst(%dma_wait3A_359 : memref<128x64xf32, #tpu.memory_space<vmem>>)
      %dma_wait3A_368 = arith.constant 0 : i32
      %dma_wait3A_369 = arith.constant 1 : i32
      %dma_wait3A_370 = arith.constant 0 : i32
      %dma_wait3A_371 = arith.constant 0 : i32
      %dma_wait3A_372 = arith.constant 128 : i32
      %dma_wait3A_373 = arith.constant 0 : i32
      %dma_wait3A_374 = tpu.memref_slice %arg6[%dma_wait3A_370, %dma_wait3A_372, %dma_wait3A_373] : memref<2x512x64xf32, #tpu.memory_space<vmem>> -> memref<1x128x64xf32, #tpu.memory_space<vmem>>
      %dma_wait3A_375 = tpu.memref_squeeze %dma_wait3A_374 : memref<1x128x64xf32, #tpu.memory_space<vmem>> -> memref<128x64xf32, #tpu.memory_space<vmem>>
      %dma_wait3A_376 = arith.constant 0 : i32
      %dma_wait3A_377 = tpu.memref_slice %arg5[%dma_wait3A_368, %dma_wait3A_369, %dma_wait3A_376] : memref<2x4x128xi32, #tpu.memory_space<vmem>> -> memref<1x1x128xi32, #tpu.memory_space<vmem>>
      %dma_wait3A_378 = tpu.memref_squeeze %dma_wait3A_377 : memref<1x1x128xi32, #tpu.memory_space<vmem>> -> memref<128xi32, #tpu.memory_space<vmem>>
      %dma_wait3A_379 = arith.constant 0 : i32
      %dma_wait3A_380 = arith.constant 0 : i32
      %dma_wait3A_381 = tpu.memref_slice %arg3[%dma_wait3A_379, %dma_wait3A_380] : memref<1000000x64xf32, #tpu.memory_space<hbm>> -> memref<1000000x64xf32, #tpu.memory_space<hbm>>
      %dma_wait3A_382 = tpu.memref_slice %arg7[%dma_wait3A_371] : memref<2x!tpu.dma_semaphore, #tpu.memory_space<semaphore_mem>> -> memref<1x!tpu.dma_semaphore, #tpu.memory_space<semaphore_mem>>
      %dma_wait3A_383 = tpu.memref_squeeze %dma_wait3A_382 : memref<1x!tpu.dma_semaphore, #tpu.memory_space<semaphore_mem>> -> memref<!tpu.dma_semaphore, #tpu.memory_space<semaphore_mem>>
      tpu.wait_indirect_dma semaphore(%dma_wait3A_383 : memref<!tpu.dma_semaphore, #tpu.memory_space<semaphore_mem>>) src(%dma_wait3A_381 : memref<1000000x64xf32, #tpu.memory_space<hbm>>) dst(%dma_wait3A_375 : memref<128x64xf32, #tpu.memory_space<vmem>>)
      %dma_wait3A_384 = arith.constant 0 : i32
      %dma_wait3A_385 = arith.constant 2 : i32
      %dma_wait3A_386 = arith.constant 0 : i32
      %dma_wait3A_387 = arith.constant 0 : i32
      %dma_wait3A_388 = arith.constant 256 : i32
      %dma_wait3A_389 = arith.constant 0 : i32
      %dma_wait3A_390 = tpu.memref_slice %arg6[%dma_wait3A_386, %dma_wait3A_388, %dma_wait3A_389] : memref<2x512x64xf32, #tpu.memory_space<vmem>> -> memref<1x128x64xf32, #tpu.memory_space<vmem>>
      %dma_wait3A_391 = tpu.memref_squeeze %dma_wait3A_390 : memref<1x128x64xf32, #tpu.memory_space<vmem>> -> memref<128x64xf32, #tpu.memory_space<vmem>>
      %dma_wait3A_392 = arith.constant 0 : i32
      %dma_wait3A_393 = tpu.memref_slice %arg5[%dma_wait3A_384, %dma_wait3A_385, %dma_wait3A_392] : memref<2x4x128xi32, #tpu.memory_space<vmem>> -> memref<1x1x128xi32, #tpu.memory_space<vmem>>
      %dma_wait3A_394 = tpu.memref_squeeze %dma_wait3A_393 : memref<1x1x128xi32, #tpu.memory_space<vmem>> -> memref<128xi32, #tpu.memory_space<vmem>>
      %dma_wait3A_395 = arith.constant 0 : i32
      %dma_wait3A_396 = arith.constant 0 : i32
      %dma_wait3A_397 = tpu.memref_slice %arg3[%dma_wait3A_395, %dma_wait3A_396] : memref<1000000x64xf32, #tpu.memory_space<hbm>> -> memref<1000000x64xf32, #tpu.memory_space<hbm>>
      %dma_wait3A_398 = tpu.memref_slice %arg7[%dma_wait3A_387] : memref<2x!tpu.dma_semaphore, #tpu.memory_space<semaphore_mem>> -> memref<1x!tpu.dma_semaphore, #tpu.memory_space<semaphore_mem>>
      %dma_wait3A_399 = tpu.memref_squeeze %dma_wait3A_398 : memref<1x!tpu.dma_semaphore, #tpu.memory_space<semaphore_mem>> -> memref<!tpu.dma_semaphore, #tpu.memory_space<semaphore_mem>>
      tpu.wait_indirect_dma semaphore(%dma_wait3A_399 : memref<!tpu.dma_semaphore, #tpu.memory_space<semaphore_mem>>) src(%dma_wait3A_397 : memref<1000000x64xf32, #tpu.memory_space<hbm>>) dst(%dma_wait3A_391 : memref<128x64xf32, #tpu.memory_space<vmem>>)
      %dma_wait3A_400 = arith.constant 0 : i32
      %dma_wait3A_401 = arith.constant 3 : i32
      %dma_wait3A_402 = arith.constant 0 : i32
      %dma_wait3A_403 = arith.constant 0 : i32
      %dma_wait3A_404 = arith.constant 384 : i32
      %dma_wait3A_405 = arith.constant 0 : i32
      %dma_wait3A_406 = tpu.memref_slice %arg6[%dma_wait3A_402, %dma_wait3A_404, %dma_wait3A_405] : memref<2x512x64xf32, #tpu.memory_space<vmem>> -> memref<1x128x64xf32, #tpu.memory_space<vmem>>
      %dma_wait3A_407 = tpu.memref_squeeze %dma_wait3A_406 : memref<1x128x64xf32, #tpu.memory_space<vmem>> -> memref<128x64xf32, #tpu.memory_space<vmem>>
      %dma_wait3A_408 = arith.constant 0 : i32
      %dma_wait3A_409 = tpu.memref_slice %arg5[%dma_wait3A_400, %dma_wait3A_401, %dma_wait3A_408] : memref<2x4x128xi32, #tpu.memory_space<vmem>> -> memref<1x1x128xi32, #tpu.memory_space<vmem>>
      %dma_wait3A_410 = tpu.memref_squeeze %dma_wait3A_409 : memref<1x1x128xi32, #tpu.memory_space<vmem>> -> memref<128xi32, #tpu.memory_space<vmem>>
      %dma_wait3A_411 = arith.constant 0 : i32
      %dma_wait3A_412 = arith.constant 0 : i32
      %dma_wait3A_413 = tpu.memref_slice %arg3[%dma_wait3A_411, %dma_wait3A_412] : memref<1000000x64xf32, #tpu.memory_space<hbm>> -> memref<1000000x64xf32, #tpu.memory_space<hbm>>
      %dma_wait3A_414 = tpu.memref_slice %arg7[%dma_wait3A_403] : memref<2x!tpu.dma_semaphore, #tpu.memory_space<semaphore_mem>> -> memref<1x!tpu.dma_semaphore, #tpu.memory_space<semaphore_mem>>
      %dma_wait3A_415 = tpu.memref_squeeze %dma_wait3A_414 : memref<1x!tpu.dma_semaphore, #tpu.memory_space<semaphore_mem>> -> memref<!tpu.dma_semaphore, #tpu.memory_space<semaphore_mem>>
      tpu.wait_indirect_dma semaphore(%dma_wait3A_415 : memref<!tpu.dma_semaphore, #tpu.memory_space<semaphore_mem>>) src(%dma_wait3A_413 : memref<1000000x64xf32, #tpu.memory_space<hbm>>) dst(%dma_wait3A_407 : memref<128x64xf32, #tpu.memory_space<vmem>>)
      %mul3A_416 = arith.constant 4 : i32
      %mul3A_417 = arith.muli %add3A_351, %mul3A_416 : i32
      %add3A_418 = arith.addi %mul3A_2, %mul3A_417 : i32
      %mul3A_419 = arith.constant 128 : i32
      %mul3A_420 = arith.muli %add3A_418, %mul3A_419 : i32
      %dma_start3A_421 = arith.constant 0 : i32
      %dma_start3A_422 = arith.constant 0 : i32
      %dma_start3A_423 = arith.constant 0 : i32
      %dma_start3A_424 = arith.constant 0 : i32
      %dma_start3A_425 = tpu.memref_slice %arg6[%dma_start3A_421, %dma_start3A_423, %dma_start3A_424] : memref<2x512x64xf32, #tpu.memory_space<vmem>> -> memref<1x512x64xf32, #tpu.memory_space<vmem>>
      %dma_start3A_426 = tpu.memref_squeeze %dma_start3A_425 : memref<1x512x64xf32, #tpu.memory_space<vmem>> -> memref<512x64xf32, #tpu.memory_space<vmem>>
      %dma_start3A_427 = arith.constant 0 : i32
      %dma_start3A_428 = tpu.memref_slice %arg4[%mul3A_420, %dma_start3A_427] : memref<819200x64xf32, #tpu.memory_space<hbm>> -> memref<512x64xf32, #tpu.memory_space<hbm>>
      %dma_start3A_429 = tpu.memref_slice %arg8[%dma_start3A_422] : memref<2x!tpu.dma_semaphore, #tpu.memory_space<semaphore_mem>> -> memref<1x!tpu.dma_semaphore, #tpu.memory_space<semaphore_mem>>
      %dma_start3A_430 = tpu.memref_squeeze %dma_start3A_429 : memref<1x!tpu.dma_semaphore, #tpu.memory_space<semaphore_mem>> -> memref<!tpu.dma_semaphore, #tpu.memory_space<semaphore_mem>>
      %dma_start3A_431 = arith.constant 0 : i32
      %dma_start3A_432 = tpu.memref_slice %arg4[%mul3A_420, %dma_start3A_431] : memref<819200x64xf32, #tpu.memory_space<hbm>> -> memref<512x64xf32, #tpu.memory_space<hbm>>
      %dma_start3A_433 = arith.constant 0 : i32
      %dma_start3A_434 = arith.constant 0 : i32
      %dma_start3A_435 = tpu.memref_slice %arg6[%dma_start3A_421, %dma_start3A_433, %dma_start3A_434] : memref<2x512x64xf32, #tpu.memory_space<vmem>> -> memref<1x512x64xf32, #tpu.memory_space<vmem>>
      %dma_start3A_436 = tpu.memref_squeeze %dma_start3A_435 : memref<1x512x64xf32, #tpu.memory_space<vmem>> -> memref<512x64xf32, #tpu.memory_space<vmem>>
      tpu.enqueue_dma source(%dma_start3A_436 : memref<512x64xf32, #tpu.memory_space<vmem>>) target(%dma_start3A_432 : memref<512x64xf32, #tpu.memory_space<hbm>>) target_semaphore(%dma_start3A_430 : memref<!tpu.dma_semaphore, #tpu.memory_space<semaphore_mem>>)
      %add3A_437 = arith.constant 2 : i32
      %add3A_438 = arith.addi %add3A_351, %add3A_437 : i32
      %mul3A_439 = arith.constant 4 : i32
      %mul3A_440 = arith.muli %add3A_438, %mul3A_439 : i32
      %add3A_441 = arith.addi %mul3A_2, %mul3A_440 : i32
      %run_scoped3A_442 = arith.constant 0 : i32
      "tpu.region"() ({
        %run_scoped3A_712 = tpu.sem_alloc : memref<!tpu.dma_semaphore, #tpu.memory_space<semaphore_mem>>
        %dma_start3A_713 = arith.constant 0 : i32
        %dma_start3A_714 = arith.constant 0 : i32
        %dma_start3A_715 = tpu.memref_slice %arg5[%run_scoped3A_442, %dma_start3A_713, %dma_start3A_714] : memref<2x4x128xi32, #tpu.memory_space<vmem>> -> memref<1x4x128xi32, #tpu.memory_space<vmem>>
        %dma_start3A_716 = tpu.memref_squeeze %dma_start3A_715 : memref<1x4x128xi32, #tpu.memory_space<vmem>> -> memref<4x128xi32, #tpu.memory_space<vmem>>
        %dma_start3A_717 = arith.constant 0 : i32
        %dma_start3A_718 = tpu.memref_slice %arg2[%add3A_441, %dma_start3A_717] : memref<6400x128xi32, #tpu.memory_space<hbm>> -> memref<4x128xi32, #tpu.memory_space<hbm>>
        %dma_start3A_719 = arith.constant 0 : i32
        %dma_start3A_720 = arith.constant 0 : i32
        %dma_start3A_721 = tpu.memref_slice %arg5[%run_scoped3A_442, %dma_start3A_719, %dma_start3A_720] : memref<2x4x128xi32, #tpu.memory_space<vmem>> -> memref<1x4x128xi32, #tpu.memory_space<vmem>>
        %dma_start3A_722 = tpu.memref_squeeze %dma_start3A_721 : memref<1x4x128xi32, #tpu.memory_space<vmem>> -> memref<4x128xi32, #tpu.memory_space<vmem>>
        %dma_start3A_723 = arith.constant 0 : i32
        %dma_start3A_724 = tpu.memref_slice %arg2[%add3A_441, %dma_start3A_723] : memref<6400x128xi32, #tpu.memory_space<hbm>> -> memref<4x128xi32, #tpu.memory_space<hbm>>
        tpu.enqueue_dma source(%dma_start3A_724 : memref<4x128xi32, #tpu.memory_space<hbm>>) target(%dma_start3A_722 : memref<4x128xi32, #tpu.memory_space<vmem>>) target_semaphore(%run_scoped3A_712 : memref<!tpu.dma_semaphore, #tpu.memory_space<semaphore_mem>>)
        %dma_wait3A_725 = arith.constant 0 : i32
        %dma_wait3A_726 = arith.constant 0 : i32
        %dma_wait3A_727 = tpu.memref_slice %arg5[%run_scoped3A_442, %dma_wait3A_725, %dma_wait3A_726] : memref<2x4x128xi32, #tpu.memory_space<vmem>> -> memref<1x4x128xi32, #tpu.memory_space<vmem>>
        %dma_wait3A_728 = tpu.memref_squeeze %dma_wait3A_727 : memref<1x4x128xi32, #tpu.memory_space<vmem>> -> memref<4x128xi32, #tpu.memory_space<vmem>>
        %dma_wait3A_729 = arith.constant 0 : i32
        %dma_wait3A_730 = tpu.memref_slice %arg2[%add3A_441, %dma_wait3A_729] : memref<6400x128xi32, #tpu.memory_space<hbm>> -> memref<4x128xi32, #tpu.memory_space<hbm>>
        %dma_wait3A_731 = arith.constant 0 : i32
        %dma_wait3A_732 = arith.constant 0 : i32
        %dma_wait3A_733 = tpu.memref_slice %arg5[%run_scoped3A_442, %dma_wait3A_731, %dma_wait3A_732] : memref<2x4x128xi32, #tpu.memory_space<vmem>> -> memref<1x4x128xi32, #tpu.memory_space<vmem>>
        %dma_wait3A_734 = tpu.memref_squeeze %dma_wait3A_733 : memref<1x4x128xi32, #tpu.memory_space<vmem>> -> memref<4x128xi32, #tpu.memory_space<vmem>>
        %dma_wait3A_735 = arith.constant 0 : i32
        %dma_wait3A_736 = tpu.memref_slice %arg2[%add3A_441, %dma_wait3A_735] : memref<6400x128xi32, #tpu.memory_space<hbm>> -> memref<4x128xi32, #tpu.memory_space<hbm>>
        tpu.wait_dma2 semaphore(%run_scoped3A_712 : memref<!tpu.dma_semaphore, #tpu.memory_space<semaphore_mem>>) src(%dma_wait3A_736 : memref<4x128xi32, #tpu.memory_space<hbm>>) dst(%dma_wait3A_734 : memref<4x128xi32, #tpu.memory_space<vmem>>)
        tpu.yield
      }) : () -> ()
      %mul3A_443 = arith.constant 4 : i32
      %mul3A_444 = arith.muli %add3A_351, %mul3A_443 : i32
      %add3A_445 = arith.addi %mul3A_2, %mul3A_444 : i32
      %mul3A_446 = arith.constant 128 : i32
      %mul3A_447 = arith.muli %add3A_445, %mul3A_446 : i32
      %dma_wait3A_448 = arith.constant 0 : i32
      %dma_wait3A_449 = arith.constant 0 : i32
      %dma_wait3A_450 = arith.constant 0 : i32
      %dma_wait3A_451 = arith.constant 0 : i32
      %dma_wait3A_452 = tpu.memref_slice %arg6[%dma_wait3A_448, %dma_wait3A_450, %dma_wait3A_451] : memref<2x512x64xf32, #tpu.memory_space<vmem>> -> memref<1x512x64xf32, #tpu.memory_space<vmem>>
      %dma_wait3A_453 = tpu.memref_squeeze %dma_wait3A_452 : memref<1x512x64xf32, #tpu.memory_space<vmem>> -> memref<512x64xf32, #tpu.memory_space<vmem>>
      %dma_wait3A_454 = arith.constant 0 : i32
      %dma_wait3A_455 = tpu.memref_slice %arg4[%mul3A_447, %dma_wait3A_454] : memref<819200x64xf32, #tpu.memory_space<hbm>> -> memref<512x64xf32, #tpu.memory_space<hbm>>
      %dma_wait3A_456 = tpu.memref_slice %arg8[%dma_wait3A_449] : memref<2x!tpu.dma_semaphore, #tpu.memory_space<semaphore_mem>> -> memref<1x!tpu.dma_semaphore, #tpu.memory_space<semaphore_mem>>
      %dma_wait3A_457 = tpu.memref_squeeze %dma_wait3A_456 : memref<1x!tpu.dma_semaphore, #tpu.memory_space<semaphore_mem>> -> memref<!tpu.dma_semaphore, #tpu.memory_space<semaphore_mem>>
      %dma_wait3A_458 = arith.constant 0 : i32
      %dma_wait3A_459 = tpu.memref_slice %arg4[%mul3A_447, %dma_wait3A_458] : memref<819200x64xf32, #tpu.memory_space<hbm>> -> memref<512x64xf32, #tpu.memory_space<hbm>>
      %dma_wait3A_460 = arith.constant 0 : i32
      %dma_wait3A_461 = arith.constant 0 : i32
      %dma_wait3A_462 = tpu.memref_slice %arg6[%dma_wait3A_448, %dma_wait3A_460, %dma_wait3A_461] : memref<2x512x64xf32, #tpu.memory_space<vmem>> -> memref<1x512x64xf32, #tpu.memory_space<vmem>>
      %dma_wait3A_463 = tpu.memref_squeeze %dma_wait3A_462 : memref<1x512x64xf32, #tpu.memory_space<vmem>> -> memref<512x64xf32, #tpu.memory_space<vmem>>
      tpu.wait_dma2 semaphore(%dma_wait3A_457 : memref<!tpu.dma_semaphore, #tpu.memory_space<semaphore_mem>>) src(%dma_wait3A_463 : memref<512x64xf32, #tpu.memory_space<vmem>>) dst(%dma_wait3A_459 : memref<512x64xf32, #tpu.memory_space<hbm>>)
      %add3A_464 = arith.constant 2 : i32
      %add3A_465 = arith.addi %add3A_351, %add3A_464 : i32
      %dma_start3A_466 = arith.constant 0 : i32
      %dma_start3A_467 = arith.constant 0 : i32
      %dma_start3A_468 = arith.constant 0 : i32
      %dma_start3A_469 = arith.constant 0 : i32
      %dma_start3A_470 = arith.constant 0 : i32
      %dma_start3A_471 = arith.constant 0 : i32
      %dma_start3A_472 = tpu.memref_slice %arg6[%dma_start3A_468, %dma_start3A_470, %dma_start3A_471] : memref<2x512x64xf32, #tpu.memory_space<vmem>> -> memref<1x128x64xf32, #tpu.memory_space<vmem>>
      %dma_start3A_473 = tpu.memref_squeeze %dma_start3A_472 : memref<1x128x64xf32, #tpu.memory_space<vmem>> -> memref<128x64xf32, #tpu.memory_space<vmem>>
      %dma_start3A_474 = arith.constant 0 : i32
      %dma_start3A_475 = tpu.memref_slice %arg5[%dma_start3A_466, %dma_start3A_467, %dma_start3A_474] : memref<2x4x128xi32, #tpu.memory_space<vmem>> -> memref<1x1x128xi32, #tpu.memory_space<vmem>>
      %dma_start3A_476 = tpu.memref_squeeze %dma_start3A_475 : memref<1x1x128xi32, #tpu.memory_space<vmem>> -> memref<128xi32, #tpu.memory_space<vmem>>
      %dma_start3A_477 = arith.constant 0 : i32
      %dma_start3A_478 = arith.constant 0 : i32
      %dma_start3A_479 = tpu.memref_slice %arg3[%dma_start3A_477, %dma_start3A_478] : memref<1000000x64xf32, #tpu.memory_space<hbm>> -> memref<1000000x64xf32, #tpu.memory_space<hbm>>
      %dma_start3A_480 = tpu.memref_slice %arg7[%dma_start3A_469] : memref<2x!tpu.dma_semaphore, #tpu.memory_space<semaphore_mem>> -> memref<1x!tpu.dma_semaphore, #tpu.memory_space<semaphore_mem>>
      %dma_start3A_481 = tpu.memref_squeeze %dma_start3A_480 : memref<1x!tpu.dma_semaphore, #tpu.memory_space<semaphore_mem>> -> memref<!tpu.dma_semaphore, #tpu.memory_space<semaphore_mem>>
      tpu.enqueue_indirect_dma source(%dma_start3A_479 : memref<1000000x64xf32, #tpu.memory_space<hbm>>) target(%dma_start3A_473 : memref<128x64xf32, #tpu.memory_space<vmem>>) offsets(%dma_start3A_476 : memref<128xi32, #tpu.memory_space<vmem>>) semaphore(%dma_start3A_481 : memref<!tpu.dma_semaphore, #tpu.memory_space<semaphore_mem>>)
      %dma_start3A_482 = arith.constant 0 : i32
      %dma_start3A_483 = arith.constant 1 : i32
      %dma_start3A_484 = arith.constant 0 : i32
      %dma_start3A_485 = arith.constant 0 : i32
      %dma_start3A_486 = arith.constant 128 : i32
      %dma_start3A_487 = arith.constant 0 : i32
      %dma_start3A_488 = tpu.memref_slice %arg6[%dma_start3A_484, %dma_start3A_486, %dma_start3A_487] : memref<2x512x64xf32, #tpu.memory_space<vmem>> -> memref<1x128x64xf32, #tpu.memory_space<vmem>>
      %dma_start3A_489 = tpu.memref_squeeze %dma_start3A_488 : memref<1x128x64xf32, #tpu.memory_space<vmem>> -> memref<128x64xf32, #tpu.memory_space<vmem>>
      %dma_start3A_490 = arith.constant 0 : i32
      %dma_start3A_491 = tpu.memref_slice %arg5[%dma_start3A_482, %dma_start3A_483, %dma_start3A_490] : memref<2x4x128xi32, #tpu.memory_space<vmem>> -> memref<1x1x128xi32, #tpu.memory_space<vmem>>
      %dma_start3A_492 = tpu.memref_squeeze %dma_start3A_491 : memref<1x1x128xi32, #tpu.memory_space<vmem>> -> memref<128xi32, #tpu.memory_space<vmem>>
      %dma_start3A_493 = arith.constant 0 : i32
      %dma_start3A_494 = arith.constant 0 : i32
      %dma_start3A_495 = tpu.memref_slice %arg3[%dma_start3A_493, %dma_start3A_494] : memref<1000000x64xf32, #tpu.memory_space<hbm>> -> memref<1000000x64xf32, #tpu.memory_space<hbm>>
      %dma_start3A_496 = tpu.memref_slice %arg7[%dma_start3A_485] : memref<2x!tpu.dma_semaphore, #tpu.memory_space<semaphore_mem>> -> memref<1x!tpu.dma_semaphore, #tpu.memory_space<semaphore_mem>>
      %dma_start3A_497 = tpu.memref_squeeze %dma_start3A_496 : memref<1x!tpu.dma_semaphore, #tpu.memory_space<semaphore_mem>> -> memref<!tpu.dma_semaphore, #tpu.memory_space<semaphore_mem>>
      tpu.enqueue_indirect_dma source(%dma_start3A_495 : memref<1000000x64xf32, #tpu.memory_space<hbm>>) target(%dma_start3A_489 : memref<128x64xf32, #tpu.memory_space<vmem>>) offsets(%dma_start3A_492 : memref<128xi32, #tpu.memory_space<vmem>>) semaphore(%dma_start3A_497 : memref<!tpu.dma_semaphore, #tpu.memory_space<semaphore_mem>>)
      %dma_start3A_498 = arith.constant 0 : i32
      %dma_start3A_499 = arith.constant 2 : i32
      %dma_start3A_500 = arith.constant 0 : i32
      %dma_start3A_501 = arith.constant 0 : i32
      %dma_start3A_502 = arith.constant 256 : i32
      %dma_start3A_503 = arith.constant 0 : i32
      %dma_start3A_504 = tpu.memref_slice %arg6[%dma_start3A_500, %dma_start3A_502, %dma_start3A_503] : memref<2x512x64xf32, #tpu.memory_space<vmem>> -> memref<1x128x64xf32, #tpu.memory_space<vmem>>
      %dma_start3A_505 = tpu.memref_squeeze %dma_start3A_504 : memref<1x128x64xf32, #tpu.memory_space<vmem>> -> memref<128x64xf32, #tpu.memory_space<vmem>>
      %dma_start3A_506 = arith.constant 0 : i32
      %dma_start3A_507 = tpu.memref_slice %arg5[%dma_start3A_498, %dma_start3A_499, %dma_start3A_506] : memref<2x4x128xi32, #tpu.memory_space<vmem>> -> memref<1x1x128xi32, #tpu.memory_space<vmem>>
      %dma_start3A_508 = tpu.memref_squeeze %dma_start3A_507 : memref<1x1x128xi32, #tpu.memory_space<vmem>> -> memref<128xi32, #tpu.memory_space<vmem>>
      %dma_start3A_509 = arith.constant 0 : i32
      %dma_start3A_510 = arith.constant 0 : i32
      %dma_start3A_511 = tpu.memref_slice %arg3[%dma_start3A_509, %dma_start3A_510] : memref<1000000x64xf32, #tpu.memory_space<hbm>> -> memref<1000000x64xf32, #tpu.memory_space<hbm>>
      %dma_start3A_512 = tpu.memref_slice %arg7[%dma_start3A_501] : memref<2x!tpu.dma_semaphore, #tpu.memory_space<semaphore_mem>> -> memref<1x!tpu.dma_semaphore, #tpu.memory_space<semaphore_mem>>
      %dma_start3A_513 = tpu.memref_squeeze %dma_start3A_512 : memref<1x!tpu.dma_semaphore, #tpu.memory_space<semaphore_mem>> -> memref<!tpu.dma_semaphore, #tpu.memory_space<semaphore_mem>>
      tpu.enqueue_indirect_dma source(%dma_start3A_511 : memref<1000000x64xf32, #tpu.memory_space<hbm>>) target(%dma_start3A_505 : memref<128x64xf32, #tpu.memory_space<vmem>>) offsets(%dma_start3A_508 : memref<128xi32, #tpu.memory_space<vmem>>) semaphore(%dma_start3A_513 : memref<!tpu.dma_semaphore, #tpu.memory_space<semaphore_mem>>)
      %dma_start3A_514 = arith.constant 0 : i32
      %dma_start3A_515 = arith.constant 3 : i32
      %dma_start3A_516 = arith.constant 0 : i32
      %dma_start3A_517 = arith.constant 0 : i32
      %dma_start3A_518 = arith.constant 384 : i32
      %dma_start3A_519 = arith.constant 0 : i32
      %dma_start3A_520 = tpu.memref_slice %arg6[%dma_start3A_516, %dma_start3A_518, %dma_start3A_519] : memref<2x512x64xf32, #tpu.memory_space<vmem>> -> memref<1x128x64xf32, #tpu.memory_space<vmem>>
      %dma_start3A_521 = tpu.memref_squeeze %dma_start3A_520 : memref<1x128x64xf32, #tpu.memory_space<vmem>> -> memref<128x64xf32, #tpu.memory_space<vmem>>
      %dma_start3A_522 = arith.constant 0 : i32
      %dma_start3A_523 = tpu.memref_slice %arg5[%dma_start3A_514, %dma_start3A_515, %dma_start3A_522] : memref<2x4x128xi32, #tpu.memory_space<vmem>> -> memref<1x1x128xi32, #tpu.memory_space<vmem>>
      %dma_start3A_524 = tpu.memref_squeeze %dma_start3A_523 : memref<1x1x128xi32, #tpu.memory_space<vmem>> -> memref<128xi32, #tpu.memory_space<vmem>>
      %dma_start3A_525 = arith.constant 0 : i32
      %dma_start3A_526 = arith.constant 0 : i32
      %dma_start3A_527 = tpu.memref_slice %arg3[%dma_start3A_525, %dma_start3A_526] : memref<1000000x64xf32, #tpu.memory_space<hbm>> -> memref<1000000x64xf32, #tpu.memory_space<hbm>>
      %dma_start3A_528 = tpu.memref_slice %arg7[%dma_start3A_517] : memref<2x!tpu.dma_semaphore, #tpu.memory_space<semaphore_mem>> -> memref<1x!tpu.dma_semaphore, #tpu.memory_space<semaphore_mem>>
      %dma_start3A_529 = tpu.memref_squeeze %dma_start3A_528 : memref<1x!tpu.dma_semaphore, #tpu.memory_space<semaphore_mem>> -> memref<!tpu.dma_semaphore, #tpu.memory_space<semaphore_mem>>
      tpu.enqueue_indirect_dma source(%dma_start3A_527 : memref<1000000x64xf32, #tpu.memory_space<hbm>>) target(%dma_start3A_521 : memref<128x64xf32, #tpu.memory_space<vmem>>) offsets(%dma_start3A_524 : memref<128xi32, #tpu.memory_space<vmem>>) semaphore(%dma_start3A_529 : memref<!tpu.dma_semaphore, #tpu.memory_space<semaphore_mem>>)
      %mul3A_530 = arith.constant 2 : i32
      %mul3A_531 = arith.muli %mul3A_530, %scan3A_347 : i32
      %add3A_532 = arith.constant 1 : i32
      %add3A_533 = arith.addi %mul3A_531, %add3A_532 : i32
      %dma_wait3A_534 = arith.constant 1 : i32
      %dma_wait3A_535 = arith.constant 0 : i32
      %dma_wait3A_536 = arith.constant 1 : i32
      %dma_wait3A_537 = arith.constant 1 : i32
      %dma_wait3A_538 = arith.constant 0 : i32
      %dma_wait3A_539 = arith.constant 0 : i32
      %dma_wait3A_540 = tpu.memref_slice %arg6[%dma_wait3A_536, %dma_wait3A_538, %dma_wait3A_539] : memref<2x512x64xf32, #tpu.memory_space<vmem>> -> memref<1x128x64xf32, #tpu.memory_space<vmem>>
      %dma_wait3A_541 = tpu.memref_squeeze %dma_wait3A_540 : memref<1x128x64xf32, #tpu.memory_space<vmem>> -> memref<128x64xf32, #tpu.memory_space<vmem>>
      %dma_wait3A_542 = arith.constant 0 : i32
      %dma_wait3A_543 = tpu.memref_slice %arg5[%dma_wait3A_534, %dma_wait3A_535, %dma_wait3A_542] : memref<2x4x128xi32, #tpu.memory_space<vmem>> -> memref<1x1x128xi32, #tpu.memory_space<vmem>>
      %dma_wait3A_544 = tpu.memref_squeeze %dma_wait3A_543 : memref<1x1x128xi32, #tpu.memory_space<vmem>> -> memref<128xi32, #tpu.memory_space<vmem>>
      %dma_wait3A_545 = arith.constant 0 : i32
      %dma_wait3A_546 = arith.constant 0 : i32
      %dma_wait3A_547 = tpu.memref_slice %arg3[%dma_wait3A_545, %dma_wait3A_546] : memref<1000000x64xf32, #tpu.memory_space<hbm>> -> memref<1000000x64xf32, #tpu.memory_space<hbm>>
      %dma_wait3A_548 = tpu.memref_slice %arg7[%dma_wait3A_537] : memref<2x!tpu.dma_semaphore, #tpu.memory_space<semaphore_mem>> -> memref<1x!tpu.dma_semaphore, #tpu.memory_space<semaphore_mem>>
      %dma_wait3A_549 = tpu.memref_squeeze %dma_wait3A_548 : memref<1x!tpu.dma_semaphore, #tpu.memory_space<semaphore_mem>> -> memref<!tpu.dma_semaphore, #tpu.memory_space<semaphore_mem>>
      tpu.wait_indirect_dma semaphore(%dma_wait3A_549 : memref<!tpu.dma_semaphore, #tpu.memory_space<semaphore_mem>>) src(%dma_wait3A_547 : memref<1000000x64xf32, #tpu.memory_space<hbm>>) dst(%dma_wait3A_541 : memref<128x64xf32, #tpu.memory_space<vmem>>)
      %dma_wait3A_550 = arith.constant 1 : i32
      %dma_wait3A_551 = arith.constant 1 : i32
      %dma_wait3A_552 = arith.constant 1 : i32
      %dma_wait3A_553 = arith.constant 1 : i32
      %dma_wait3A_554 = arith.constant 128 : i32
      %dma_wait3A_555 = arith.constant 0 : i32
      %dma_wait3A_556 = tpu.memref_slice %arg6[%dma_wait3A_552, %dma_wait3A_554, %dma_wait3A_555] : memref<2x512x64xf32, #tpu.memory_space<vmem>> -> memref<1x128x64xf32, #tpu.memory_space<vmem>>
      %dma_wait3A_557 = tpu.memref_squeeze %dma_wait3A_556 : memref<1x128x64xf32, #tpu.memory_space<vmem>> -> memref<128x64xf32, #tpu.memory_space<vmem>>
      %dma_wait3A_558 = arith.constant 0 : i32
      %dma_wait3A_559 = tpu.memref_slice %arg5[%dma_wait3A_550, %dma_wait3A_551, %dma_wait3A_558] : memref<2x4x128xi32, #tpu.memory_space<vmem>> -> memref<1x1x128xi32, #tpu.memory_space<vmem>>
      %dma_wait3A_560 = tpu.memref_squeeze %dma_wait3A_559 : memref<1x1x128xi32, #tpu.memory_space<vmem>> -> memref<128xi32, #tpu.memory_space<vmem>>
      %dma_wait3A_561 = arith.constant 0 : i32
      %dma_wait3A_562 = arith.constant 0 : i32
      %dma_wait3A_563 = tpu.memref_slice %arg3[%dma_wait3A_561, %dma_wait3A_562] : memref<1000000x64xf32, #tpu.memory_space<hbm>> -> memref<1000000x64xf32, #tpu.memory_space<hbm>>
      %dma_wait3A_564 = tpu.memref_slice %arg7[%dma_wait3A_553] : memref<2x!tpu.dma_semaphore, #tpu.memory_space<semaphore_mem>> -> memref<1x!tpu.dma_semaphore, #tpu.memory_space<semaphore_mem>>
      %dma_wait3A_565 = tpu.memref_squeeze %dma_wait3A_564 : memref<1x!tpu.dma_semaphore, #tpu.memory_space<semaphore_mem>> -> memref<!tpu.dma_semaphore, #tpu.memory_space<semaphore_mem>>
      tpu.wait_indirect_dma semaphore(%dma_wait3A_565 : memref<!tpu.dma_semaphore, #tpu.memory_space<semaphore_mem>>) src(%dma_wait3A_563 : memref<1000000x64xf32, #tpu.memory_space<hbm>>) dst(%dma_wait3A_557 : memref<128x64xf32, #tpu.memory_space<vmem>>)
      %dma_wait3A_566 = arith.constant 1 : i32
      %dma_wait3A_567 = arith.constant 2 : i32
      %dma_wait3A_568 = arith.constant 1 : i32
      %dma_wait3A_569 = arith.constant 1 : i32
      %dma_wait3A_570 = arith.constant 256 : i32
      %dma_wait3A_571 = arith.constant 0 : i32
      %dma_wait3A_572 = tpu.memref_slice %arg6[%dma_wait3A_568, %dma_wait3A_570, %dma_wait3A_571] : memref<2x512x64xf32, #tpu.memory_space<vmem>> -> memref<1x128x64xf32, #tpu.memory_space<vmem>>
      %dma_wait3A_573 = tpu.memref_squeeze %dma_wait3A_572 : memref<1x128x64xf32, #tpu.memory_space<vmem>> -> memref<128x64xf32, #tpu.memory_space<vmem>>
      %dma_wait3A_574 = arith.constant 0 : i32
      %dma_wait3A_575 = tpu.memref_slice %arg5[%dma_wait3A_566, %dma_wait3A_567, %dma_wait3A_574] : memref<2x4x128xi32, #tpu.memory_space<vmem>> -> memref<1x1x128xi32, #tpu.memory_space<vmem>>
      %dma_wait3A_576 = tpu.memref_squeeze %dma_wait3A_575 : memref<1x1x128xi32, #tpu.memory_space<vmem>> -> memref<128xi32, #tpu.memory_space<vmem>>
      %dma_wait3A_577 = arith.constant 0 : i32
      %dma_wait3A_578 = arith.constant 0 : i32
      %dma_wait3A_579 = tpu.memref_slice %arg3[%dma_wait3A_577, %dma_wait3A_578] : memref<1000000x64xf32, #tpu.memory_space<hbm>> -> memref<1000000x64xf32, #tpu.memory_space<hbm>>
      %dma_wait3A_580 = tpu.memref_slice %arg7[%dma_wait3A_569] : memref<2x!tpu.dma_semaphore, #tpu.memory_space<semaphore_mem>> -> memref<1x!tpu.dma_semaphore, #tpu.memory_space<semaphore_mem>>
      %dma_wait3A_581 = tpu.memref_squeeze %dma_wait3A_580 : memref<1x!tpu.dma_semaphore, #tpu.memory_space<semaphore_mem>> -> memref<!tpu.dma_semaphore, #tpu.memory_space<semaphore_mem>>
      tpu.wait_indirect_dma semaphore(%dma_wait3A_581 : memref<!tpu.dma_semaphore, #tpu.memory_space<semaphore_mem>>) src(%dma_wait3A_579 : memref<1000000x64xf32, #tpu.memory_space<hbm>>) dst(%dma_wait3A_573 : memref<128x64xf32, #tpu.memory_space<vmem>>)
      %dma_wait3A_582 = arith.constant 1 : i32
      %dma_wait3A_583 = arith.constant 3 : i32
      %dma_wait3A_584 = arith.constant 1 : i32
      %dma_wait3A_585 = arith.constant 1 : i32
      %dma_wait3A_586 = arith.constant 384 : i32
      %dma_wait3A_587 = arith.constant 0 : i32
      %dma_wait3A_588 = tpu.memref_slice %arg6[%dma_wait3A_584, %dma_wait3A_586, %dma_wait3A_587] : memref<2x512x64xf32, #tpu.memory_space<vmem>> -> memref<1x128x64xf32, #tpu.memory_space<vmem>>
      %dma_wait3A_589 = tpu.memref_squeeze %dma_wait3A_588 : memref<1x128x64xf32, #tpu.memory_space<vmem>> -> memref<128x64xf32, #tpu.memory_space<vmem>>
      %dma_wait3A_590 = arith.constant 0 : i32
      %dma_wait3A_591 = tpu.memref_slice %arg5[%dma_wait3A_582, %dma_wait3A_583, %dma_wait3A_590] : memref<2x4x128xi32, #tpu.memory_space<vmem>> -> memref<1x1x128xi32, #tpu.memory_space<vmem>>
      %dma_wait3A_592 = tpu.memref_squeeze %dma_wait3A_591 : memref<1x1x128xi32, #tpu.memory_space<vmem>> -> memref<128xi32, #tpu.memory_space<vmem>>
      %dma_wait3A_593 = arith.constant 0 : i32
      %dma_wait3A_594 = arith.constant 0 : i32
      %dma_wait3A_595 = tpu.memref_slice %arg3[%dma_wait3A_593, %dma_wait3A_594] : memref<1000000x64xf32, #tpu.memory_space<hbm>> -> memref<1000000x64xf32, #tpu.memory_space<hbm>>
      %dma_wait3A_596 = tpu.memref_slice %arg7[%dma_wait3A_585] : memref<2x!tpu.dma_semaphore, #tpu.memory_space<semaphore_mem>> -> memref<1x!tpu.dma_semaphore, #tpu.memory_space<semaphore_mem>>
      %dma_wait3A_597 = tpu.memref_squeeze %dma_wait3A_596 : memref<1x!tpu.dma_semaphore, #tpu.memory_space<semaphore_mem>> -> memref<!tpu.dma_semaphore, #tpu.memory_space<semaphore_mem>>
      tpu.wait_indirect_dma semaphore(%dma_wait3A_597 : memref<!tpu.dma_semaphore, #tpu.memory_space<semaphore_mem>>) src(%dma_wait3A_595 : memref<1000000x64xf32, #tpu.memory_space<hbm>>) dst(%dma_wait3A_589 : memref<128x64xf32, #tpu.memory_space<vmem>>)
      %mul3A_598 = arith.constant 4 : i32
      %mul3A_599 = arith.muli %add3A_533, %mul3A_598 : i32
      %add3A_600 = arith.addi %mul3A_2, %mul3A_599 : i32
      %mul3A_601 = arith.constant 128 : i32
      %mul3A_602 = arith.muli %add3A_600, %mul3A_601 : i32
      %dma_start3A_603 = arith.constant 1 : i32
      %dma_start3A_604 = arith.constant 1 : i32
      %dma_start3A_605 = arith.constant 0 : i32
      %dma_start3A_606 = arith.constant 0 : i32
      %dma_start3A_607 = tpu.memref_slice %arg6[%dma_start3A_603, %dma_start3A_605, %dma_start3A_606] : memref<2x512x64xf32, #tpu.memory_space<vmem>> -> memref<1x512x64xf32, #tpu.memory_space<vmem>>
      %dma_start3A_608 = tpu.memref_squeeze %dma_start3A_607 : memref<1x512x64xf32, #tpu.memory_space<vmem>> -> memref<512x64xf32, #tpu.memory_space<vmem>>
      %dma_start3A_609 = arith.constant 0 : i32
      %dma_start3A_610 = tpu.memref_slice %arg4[%mul3A_602, %dma_start3A_609] : memref<819200x64xf32, #tpu.memory_space<hbm>> -> memref<512x64xf32, #tpu.memory_space<hbm>>
      %dma_start3A_611 = tpu.memref_slice %arg8[%dma_start3A_604] : memref<2x!tpu.dma_semaphore, #tpu.memory_space<semaphore_mem>> -> memref<1x!tpu.dma_semaphore, #tpu.memory_space<semaphore_mem>>
      %dma_start3A_612 = tpu.memref_squeeze %dma_start3A_611 : memref<1x!tpu.dma_semaphore, #tpu.memory_space<semaphore_mem>> -> memref<!tpu.dma_semaphore, #tpu.memory_space<semaphore_mem>>
      %dma_start3A_613 = arith.constant 0 : i32
      %dma_start3A_614 = tpu.memref_slice %arg4[%mul3A_602, %dma_start3A_613] : memref<819200x64xf32, #tpu.memory_space<hbm>> -> memref<512x64xf32, #tpu.memory_space<hbm>>
      %dma_start3A_615 = arith.constant 0 : i32
      %dma_start3A_616 = arith.constant 0 : i32
      %dma_start3A_617 = tpu.memref_slice %arg6[%dma_start3A_603, %dma_start3A_615, %dma_start3A_616] : memref<2x512x64xf32, #tpu.memory_space<vmem>> -> memref<1x512x64xf32, #tpu.memory_space<vmem>>
      %dma_start3A_618 = tpu.memref_squeeze %dma_start3A_617 : memref<1x512x64xf32, #tpu.memory_space<vmem>> -> memref<512x64xf32, #tpu.memory_space<vmem>>
      tpu.enqueue_dma source(%dma_start3A_618 : memref<512x64xf32, #tpu.memory_space<vmem>>) target(%dma_start3A_614 : memref<512x64xf32, #tpu.memory_space<hbm>>) target_semaphore(%dma_start3A_612 : memref<!tpu.dma_semaphore, #tpu.memory_space<semaphore_mem>>)
      %add3A_619 = arith.constant 2 : i32
      %add3A_620 = arith.addi %add3A_533, %add3A_619 : i32
      %mul3A_621 = arith.constant 4 : i32
      %mul3A_622 = arith.muli %add3A_620, %mul3A_621 : i32
      %add3A_623 = arith.addi %mul3A_2, %mul3A_622 : i32
      %run_scoped3A_624 = arith.constant 1 : i32
      "tpu.region"() ({
        %run_scoped3A_712 = tpu.sem_alloc : memref<!tpu.dma_semaphore, #tpu.memory_space<semaphore_mem>>
        %dma_start3A_713 = arith.constant 0 : i32
        %dma_start3A_714 = arith.constant 0 : i32
        %dma_start3A_715 = tpu.memref_slice %arg5[%run_scoped3A_624, %dma_start3A_713, %dma_start3A_714] : memref<2x4x128xi32, #tpu.memory_space<vmem>> -> memref<1x4x128xi32, #tpu.memory_space<vmem>>
        %dma_start3A_716 = tpu.memref_squeeze %dma_start3A_715 : memref<1x4x128xi32, #tpu.memory_space<vmem>> -> memref<4x128xi32, #tpu.memory_space<vmem>>
        %dma_start3A_717 = arith.constant 0 : i32
        %dma_start3A_718 = tpu.memref_slice %arg2[%add3A_623, %dma_start3A_717] : memref<6400x128xi32, #tpu.memory_space<hbm>> -> memref<4x128xi32, #tpu.memory_space<hbm>>
        %dma_start3A_719 = arith.constant 0 : i32
        %dma_start3A_720 = arith.constant 0 : i32
        %dma_start3A_721 = tpu.memref_slice %arg5[%run_scoped3A_624, %dma_start3A_719, %dma_start3A_720] : memref<2x4x128xi32, #tpu.memory_space<vmem>> -> memref<1x4x128xi32, #tpu.memory_space<vmem>>
        %dma_start3A_722 = tpu.memref_squeeze %dma_start3A_721 : memref<1x4x128xi32, #tpu.memory_space<vmem>> -> memref<4x128xi32, #tpu.memory_space<vmem>>
        %dma_start3A_723 = arith.constant 0 : i32
        %dma_start3A_724 = tpu.memref_slice %arg2[%add3A_623, %dma_start3A_723] : memref<6400x128xi32, #tpu.memory_space<hbm>> -> memref<4x128xi32, #tpu.memory_space<hbm>>
        tpu.enqueue_dma source(%dma_start3A_724 : memref<4x128xi32, #tpu.memory_space<hbm>>) target(%dma_start3A_722 : memref<4x128xi32, #tpu.memory_space<vmem>>) target_semaphore(%run_scoped3A_712 : memref<!tpu.dma_semaphore, #tpu.memory_space<semaphore_mem>>)
        %dma_wait3A_725 = arith.constant 0 : i32
        %dma_wait3A_726 = arith.constant 0 : i32
        %dma_wait3A_727 = tpu.memref_slice %arg5[%run_scoped3A_624, %dma_wait3A_725, %dma_wait3A_726] : memref<2x4x128xi32, #tpu.memory_space<vmem>> -> memref<1x4x128xi32, #tpu.memory_space<vmem>>
        %dma_wait3A_728 = tpu.memref_squeeze %dma_wait3A_727 : memref<1x4x128xi32, #tpu.memory_space<vmem>> -> memref<4x128xi32, #tpu.memory_space<vmem>>
        %dma_wait3A_729 = arith.constant 0 : i32
        %dma_wait3A_730 = tpu.memref_slice %arg2[%add3A_623, %dma_wait3A_729] : memref<6400x128xi32, #tpu.memory_space<hbm>> -> memref<4x128xi32, #tpu.memory_space<hbm>>
        %dma_wait3A_731 = arith.constant 0 : i32
        %dma_wait3A_732 = arith.constant 0 : i32
        %dma_wait3A_733 = tpu.memref_slice %arg5[%run_scoped3A_624, %dma_wait3A_731, %dma_wait3A_732] : memref<2x4x128xi32, #tpu.memory_space<vmem>> -> memref<1x4x128xi32, #tpu.memory_space<vmem>>
        %dma_wait3A_734 = tpu.memref_squeeze %dma_wait3A_733 : memref<1x4x128xi32, #tpu.memory_space<vmem>> -> memref<4x128xi32, #tpu.memory_space<vmem>>
        %dma_wait3A_735 = arith.constant 0 : i32
        %dma_wait3A_736 = tpu.memref_slice %arg2[%add3A_623, %dma_wait3A_735] : memref<6400x128xi32, #tpu.memory_space<hbm>> -> memref<4x128xi32, #tpu.memory_space<hbm>>
        tpu.wait_dma2 semaphore(%run_scoped3A_712 : memref<!tpu.dma_semaphore, #tpu.memory_space<semaphore_mem>>) src(%dma_wait3A_736 : memref<4x128xi32, #tpu.memory_space<hbm>>) dst(%dma_wait3A_734 : memref<4x128xi32, #tpu.memory_space<vmem>>)
        tpu.yield
      }) : () -> ()
      %mul3A_625 = arith.constant 4 : i32
      %mul3A_626 = arith.muli %add3A_533, %mul3A_625 : i32
      %add3A_627 = arith.addi %mul3A_2, %mul3A_626 : i32
      %mul3A_628 = arith.constant 128 : i32
      %mul3A_629 = arith.muli %add3A_627, %mul3A_628 : i32
      %dma_wait3A_630 = arith.constant 1 : i32
      %dma_wait3A_631 = arith.constant 1 : i32
      %dma_wait3A_632 = arith.constant 0 : i32
      %dma_wait3A_633 = arith.constant 0 : i32
      %dma_wait3A_634 = tpu.memref_slice %arg6[%dma_wait3A_630, %dma_wait3A_632, %dma_wait3A_633] : memref<2x512x64xf32, #tpu.memory_space<vmem>> -> memref<1x512x64xf32, #tpu.memory_space<vmem>>
      %dma_wait3A_635 = tpu.memref_squeeze %dma_wait3A_634 : memref<1x512x64xf32, #tpu.memory_space<vmem>> -> memref<512x64xf32, #tpu.memory_space<vmem>>
      %dma_wait3A_636 = arith.constant 0 : i32
      %dma_wait3A_637 = tpu.memref_slice %arg4[%mul3A_629, %dma_wait3A_636] : memref<819200x64xf32, #tpu.memory_space<hbm>> -> memref<512x64xf32, #tpu.memory_space<hbm>>
      %dma_wait3A_638 = tpu.memref_slice %arg8[%dma_wait3A_631] : memref<2x!tpu.dma_semaphore, #tpu.memory_space<semaphore_mem>> -> memref<1x!tpu.dma_semaphore, #tpu.memory_space<semaphore_mem>>
      %dma_wait3A_639 = tpu.memref_squeeze %dma_wait3A_638 : memref<1x!tpu.dma_semaphore, #tpu.memory_space<semaphore_mem>> -> memref<!tpu.dma_semaphore, #tpu.memory_space<semaphore_mem>>
      %dma_wait3A_640 = arith.constant 0 : i32
      %dma_wait3A_641 = tpu.memref_slice %arg4[%mul3A_629, %dma_wait3A_640] : memref<819200x64xf32, #tpu.memory_space<hbm>> -> memref<512x64xf32, #tpu.memory_space<hbm>>
      %dma_wait3A_642 = arith.constant 0 : i32
      %dma_wait3A_643 = arith.constant 0 : i32
      %dma_wait3A_644 = tpu.memref_slice %arg6[%dma_wait3A_630, %dma_wait3A_642, %dma_wait3A_643] : memref<2x512x64xf32, #tpu.memory_space<vmem>> -> memref<1x512x64xf32, #tpu.memory_space<vmem>>
      %dma_wait3A_645 = tpu.memref_squeeze %dma_wait3A_644 : memref<1x512x64xf32, #tpu.memory_space<vmem>> -> memref<512x64xf32, #tpu.memory_space<vmem>>
      tpu.wait_dma2 semaphore(%dma_wait3A_639 : memref<!tpu.dma_semaphore, #tpu.memory_space<semaphore_mem>>) src(%dma_wait3A_645 : memref<512x64xf32, #tpu.memory_space<vmem>>) dst(%dma_wait3A_641 : memref<512x64xf32, #tpu.memory_space<hbm>>)
      %add3A_646 = arith.constant 2 : i32
      %add3A_647 = arith.addi %add3A_533, %add3A_646 : i32
      %dma_start3A_648 = arith.constant 1 : i32
      %dma_start3A_649 = arith.constant 0 : i32
      %dma_start3A_650 = arith.constant 1 : i32
      %dma_start3A_651 = arith.constant 1 : i32
      %dma_start3A_652 = arith.constant 0 : i32
      %dma_start3A_653 = arith.constant 0 : i32
      %dma_start3A_654 = tpu.memref_slice %arg6[%dma_start3A_650, %dma_start3A_652, %dma_start3A_653] : memref<2x512x64xf32, #tpu.memory_space<vmem>> -> memref<1x128x64xf32, #tpu.memory_space<vmem>>
      %dma_start3A_655 = tpu.memref_squeeze %dma_start3A_654 : memref<1x128x64xf32, #tpu.memory_space<vmem>> -> memref<128x64xf32, #tpu.memory_space<vmem>>
      %dma_start3A_656 = arith.constant 0 : i32
      %dma_start3A_657 = tpu.memref_slice %arg5[%dma_start3A_648, %dma_start3A_649, %dma_start3A_656] : memref<2x4x128xi32, #tpu.memory_space<vmem>> -> memref<1x1x128xi32, #tpu.memory_space<vmem>>
      %dma_start3A_658 = tpu.memref_squeeze %dma_start3A_657 : memref<1x1x128xi32, #tpu.memory_space<vmem>> -> memref<128xi32, #tpu.memory_space<vmem>>
      %dma_start3A_659 = arith.constant 0 : i32
      %dma_start3A_660 = arith.constant 0 : i32
      %dma_start3A_661 = tpu.memref_slice %arg3[%dma_start3A_659, %dma_start3A_660] : memref<1000000x64xf32, #tpu.memory_space<hbm>> -> memref<1000000x64xf32, #tpu.memory_space<hbm>>
      %dma_start3A_662 = tpu.memref_slice %arg7[%dma_start3A_651] : memref<2x!tpu.dma_semaphore, #tpu.memory_space<semaphore_mem>> -> memref<1x!tpu.dma_semaphore, #tpu.memory_space<semaphore_mem>>
      %dma_start3A_663 = tpu.memref_squeeze %dma_start3A_662 : memref<1x!tpu.dma_semaphore, #tpu.memory_space<semaphore_mem>> -> memref<!tpu.dma_semaphore, #tpu.memory_space<semaphore_mem>>
      tpu.enqueue_indirect_dma source(%dma_start3A_661 : memref<1000000x64xf32, #tpu.memory_space<hbm>>) target(%dma_start3A_655 : memref<128x64xf32, #tpu.memory_space<vmem>>) offsets(%dma_start3A_658 : memref<128xi32, #tpu.memory_space<vmem>>) semaphore(%dma_start3A_663 : memref<!tpu.dma_semaphore, #tpu.memory_space<semaphore_mem>>)
      %dma_start3A_664 = arith.constant 1 : i32
      %dma_start3A_665 = arith.constant 1 : i32
      %dma_start3A_666 = arith.constant 1 : i32
      %dma_start3A_667 = arith.constant 1 : i32
      %dma_start3A_668 = arith.constant 128 : i32
      %dma_start3A_669 = arith.constant 0 : i32
      %dma_start3A_670 = tpu.memref_slice %arg6[%dma_start3A_666, %dma_start3A_668, %dma_start3A_669] : memref<2x512x64xf32, #tpu.memory_space<vmem>> -> memref<1x128x64xf32, #tpu.memory_space<vmem>>
      %dma_start3A_671 = tpu.memref_squeeze %dma_start3A_670 : memref<1x128x64xf32, #tpu.memory_space<vmem>> -> memref<128x64xf32, #tpu.memory_space<vmem>>
      %dma_start3A_672 = arith.constant 0 : i32
      %dma_start3A_673 = tpu.memref_slice %arg5[%dma_start3A_664, %dma_start3A_665, %dma_start3A_672] : memref<2x4x128xi32, #tpu.memory_space<vmem>> -> memref<1x1x128xi32, #tpu.memory_space<vmem>>
      %dma_start3A_674 = tpu.memref_squeeze %dma_start3A_673 : memref<1x1x128xi32, #tpu.memory_space<vmem>> -> memref<128xi32, #tpu.memory_space<vmem>>
      %dma_start3A_675 = arith.constant 0 : i32
      %dma_start3A_676 = arith.constant 0 : i32
      %dma_start3A_677 = tpu.memref_slice %arg3[%dma_start3A_675, %dma_start3A_676] : memref<1000000x64xf32, #tpu.memory_space<hbm>> -> memref<1000000x64xf32, #tpu.memory_space<hbm>>
      %dma_start3A_678 = tpu.memref_slice %arg7[%dma_start3A_667] : memref<2x!tpu.dma_semaphore, #tpu.memory_space<semaphore_mem>> -> memref<1x!tpu.dma_semaphore, #tpu.memory_space<semaphore_mem>>
      %dma_start3A_679 = tpu.memref_squeeze %dma_start3A_678 : memref<1x!tpu.dma_semaphore, #tpu.memory_space<semaphore_mem>> -> memref<!tpu.dma_semaphore, #tpu.memory_space<semaphore_mem>>
      tpu.enqueue_indirect_dma source(%dma_start3A_677 : memref<1000000x64xf32, #tpu.memory_space<hbm>>) target(%dma_start3A_671 : memref<128x64xf32, #tpu.memory_space<vmem>>) offsets(%dma_start3A_674 : memref<128xi32, #tpu.memory_space<vmem>>) semaphore(%dma_start3A_679 : memref<!tpu.dma_semaphore, #tpu.memory_space<semaphore_mem>>)
      %dma_start3A_680 = arith.constant 1 : i32
      %dma_start3A_681 = arith.constant 2 : i32
      %dma_start3A_682 = arith.constant 1 : i32
      %dma_start3A_683 = arith.constant 1 : i32
      %dma_start3A_684 = arith.constant 256 : i32
      %dma_start3A_685 = arith.constant 0 : i32
      %dma_start3A_686 = tpu.memref_slice %arg6[%dma_start3A_682, %dma_start3A_684, %dma_start3A_685] : memref<2x512x64xf32, #tpu.memory_space<vmem>> -> memref<1x128x64xf32, #tpu.memory_space<vmem>>
      %dma_start3A_687 = tpu.memref_squeeze %dma_start3A_686 : memref<1x128x64xf32, #tpu.memory_space<vmem>> -> memref<128x64xf32, #tpu.memory_space<vmem>>
      %dma_start3A_688 = arith.constant 0 : i32
      %dma_start3A_689 = tpu.memref_slice %arg5[%dma_start3A_680, %dma_start3A_681, %dma_start3A_688] : memref<2x4x128xi32, #tpu.memory_space<vmem>> -> memref<1x1x128xi32, #tpu.memory_space<vmem>>
      %dma_start3A_690 = tpu.memref_squeeze %dma_start3A_689 : memref<1x1x128xi32, #tpu.memory_space<vmem>> -> memref<128xi32, #tpu.memory_space<vmem>>
      %dma_start3A_691 = arith.constant 0 : i32
      %dma_start3A_692 = arith.constant 0 : i32
      %dma_start3A_693 = tpu.memref_slice %arg3[%dma_start3A_691, %dma_start3A_692] : memref<1000000x64xf32, #tpu.memory_space<hbm>> -> memref<1000000x64xf32, #tpu.memory_space<hbm>>
      %dma_start3A_694 = tpu.memref_slice %arg7[%dma_start3A_683] : memref<2x!tpu.dma_semaphore, #tpu.memory_space<semaphore_mem>> -> memref<1x!tpu.dma_semaphore, #tpu.memory_space<semaphore_mem>>
      %dma_start3A_695 = tpu.memref_squeeze %dma_start3A_694 : memref<1x!tpu.dma_semaphore, #tpu.memory_space<semaphore_mem>> -> memref<!tpu.dma_semaphore, #tpu.memory_space<semaphore_mem>>
      tpu.enqueue_indirect_dma source(%dma_start3A_693 : memref<1000000x64xf32, #tpu.memory_space<hbm>>) target(%dma_start3A_687 : memref<128x64xf32, #tpu.memory_space<vmem>>) offsets(%dma_start3A_690 : memref<128xi32, #tpu.memory_space<vmem>>) semaphore(%dma_start3A_695 : memref<!tpu.dma_semaphore, #tpu.memory_space<semaphore_mem>>)
      %dma_start3A_696 = arith.constant 1 : i32
      %dma_start3A_697 = arith.constant 3 : i32
      %dma_start3A_698 = arith.constant 1 : i32
      %dma_start3A_699 = arith.constant 1 : i32
      %dma_start3A_700 = arith.constant 384 : i32
      %dma_start3A_701 = arith.constant 0 : i32
      %dma_start3A_702 = tpu.memref_slice %arg6[%dma_start3A_698, %dma_start3A_700, %dma_start3A_701] : memref<2x512x64xf32, #tpu.memory_space<vmem>> -> memref<1x128x64xf32, #tpu.memory_space<vmem>>
      %dma_start3A_703 = tpu.memref_squeeze %dma_start3A_702 : memref<1x128x64xf32, #tpu.memory_space<vmem>> -> memref<128x64xf32, #tpu.memory_space<vmem>>
      %dma_start3A_704 = arith.constant 0 : i32
      %dma_start3A_705 = tpu.memref_slice %arg5[%dma_start3A_696, %dma_start3A_697, %dma_start3A_704] : memref<2x4x128xi32, #tpu.memory_space<vmem>> -> memref<1x1x128xi32, #tpu.memory_space<vmem>>
      %dma_start3A_706 = tpu.memref_squeeze %dma_start3A_705 : memref<1x1x128xi32, #tpu.memory_space<vmem>> -> memref<128xi32, #tpu.memory_space<vmem>>
      %dma_start3A_707 = arith.constant 0 : i32
      %dma_start3A_708 = arith.constant 0 : i32
      %dma_start3A_709 = tpu.memref_slice %arg3[%dma_start3A_707, %dma_start3A_708] : memref<1000000x64xf32, #tpu.memory_space<hbm>> -> memref<1000000x64xf32, #tpu.memory_space<hbm>>
      %dma_start3A_710 = tpu.memref_slice %arg7[%dma_start3A_699] : memref<2x!tpu.dma_semaphore, #tpu.memory_space<semaphore_mem>> -> memref<1x!tpu.dma_semaphore, #tpu.memory_space<semaphore_mem>>
      %dma_start3A_711 = tpu.memref_squeeze %dma_start3A_710 : memref<1x!tpu.dma_semaphore, #tpu.memory_space<semaphore_mem>> -> memref<!tpu.dma_semaphore, #tpu.memory_space<semaphore_mem>>
      tpu.enqueue_indirect_dma source(%dma_start3A_709 : memref<1000000x64xf32, #tpu.memory_space<hbm>>) target(%dma_start3A_703 : memref<128x64xf32, #tpu.memory_space<vmem>>) offsets(%dma_start3A_706 : memref<128xi32, #tpu.memory_space<vmem>>) semaphore(%dma_start3A_711 : memref<!tpu.dma_semaphore, #tpu.memory_space<semaphore_mem>>)
    }
    %scan3A_139 = arith.constant 24 : i32
    %dma_wait3A = arith.constant 0 : i32
    %dma_wait3A_140 = arith.constant 0 : i32
    %dma_wait3A_141 = arith.constant 0 : i32
    %dma_wait3A_142 = arith.constant 0 : i32
    %dma_wait3A_143 = arith.constant 0 : i32
    %dma_wait3A_144 = arith.constant 0 : i32
    %dma_wait3A_145 = tpu.memref_slice %arg6[%dma_wait3A_141, %dma_wait3A_143, %dma_wait3A_144] : memref<2x512x64xf32, #tpu.memory_space<vmem>> -> memref<1x128x64xf32, #tpu.memory_space<vmem>>
    %dma_wait3A_146 = tpu.memref_squeeze %dma_wait3A_145 : memref<1x128x64xf32, #tpu.memory_space<vmem>> -> memref<128x64xf32, #tpu.memory_space<vmem>>
    %dma_wait3A_147 = arith.constant 0 : i32
    %dma_wait3A_148 = tpu.memref_slice %arg5[%dma_wait3A, %dma_wait3A_140, %dma_wait3A_147] : memref<2x4x128xi32, #tpu.memory_space<vmem>> -> memref<1x1x128xi32, #tpu.memory_space<vmem>>
    %dma_wait3A_149 = tpu.memref_squeeze %dma_wait3A_148 : memref<1x1x128xi32, #tpu.memory_space<vmem>> -> memref<128xi32, #tpu.memory_space<vmem>>
    %dma_wait3A_150 = arith.constant 0 : i32
    %dma_wait3A_151 = arith.constant 0 : i32
    %dma_wait3A_152 = tpu.memref_slice %arg3[%dma_wait3A_150, %dma_wait3A_151] : memref<1000000x64xf32, #tpu.memory_space<hbm>> -> memref<1000000x64xf32, #tpu.memory_space<hbm>>
    %dma_wait3A_153 = tpu.memref_slice %arg7[%dma_wait3A_142] : memref<2x!tpu.dma_semaphore, #tpu.memory_space<semaphore_mem>> -> memref<1x!tpu.dma_semaphore, #tpu.memory_space<semaphore_mem>>
    %dma_wait3A_154 = tpu.memref_squeeze %dma_wait3A_153 : memref<1x!tpu.dma_semaphore, #tpu.memory_space<semaphore_mem>> -> memref<!tpu.dma_semaphore, #tpu.memory_space<semaphore_mem>>
    tpu.wait_indirect_dma semaphore(%dma_wait3A_154 : memref<!tpu.dma_semaphore, #tpu.memory_space<semaphore_mem>>) src(%dma_wait3A_152 : memref<1000000x64xf32, #tpu.memory_space<hbm>>) dst(%dma_wait3A_146 : memref<128x64xf32, #tpu.memory_space<vmem>>)
    %dma_wait3A_155 = arith.constant 0 : i32
    %dma_wait3A_156 = arith.constant 1 : i32
    %dma_wait3A_157 = arith.constant 0 : i32
    %dma_wait3A_158 = arith.constant 0 : i32
    %dma_wait3A_159 = arith.constant 128 : i32
    %dma_wait3A_160 = arith.constant 0 : i32
    %dma_wait3A_161 = tpu.memref_slice %arg6[%dma_wait3A_157, %dma_wait3A_159, %dma_wait3A_160] : memref<2x512x64xf32, #tpu.memory_space<vmem>> -> memref<1x128x64xf32, #tpu.memory_space<vmem>>
    %dma_wait3A_162 = tpu.memref_squeeze %dma_wait3A_161 : memref<1x128x64xf32, #tpu.memory_space<vmem>> -> memref<128x64xf32, #tpu.memory_space<vmem>>
    %dma_wait3A_163 = arith.constant 0 : i32
    %dma_wait3A_164 = tpu.memref_slice %arg5[%dma_wait3A_155, %dma_wait3A_156, %dma_wait3A_163] : memref<2x4x128xi32, #tpu.memory_space<vmem>> -> memref<1x1x128xi32, #tpu.memory_space<vmem>>
    %dma_wait3A_165 = tpu.memref_squeeze %dma_wait3A_164 : memref<1x1x128xi32, #tpu.memory_space<vmem>> -> memref<128xi32, #tpu.memory_space<vmem>>
    %dma_wait3A_166 = arith.constant 0 : i32
    %dma_wait3A_167 = arith.constant 0 : i32
    %dma_wait3A_168 = tpu.memref_slice %arg3[%dma_wait3A_166, %dma_wait3A_167] : memref<1000000x64xf32, #tpu.memory_space<hbm>> -> memref<1000000x64xf32, #tpu.memory_space<hbm>>
    %dma_wait3A_169 = tpu.memref_slice %arg7[%dma_wait3A_158] : memref<2x!tpu.dma_semaphore, #tpu.memory_space<semaphore_mem>> -> memref<1x!tpu.dma_semaphore, #tpu.memory_space<semaphore_mem>>
    %dma_wait3A_170 = tpu.memref_squeeze %dma_wait3A_169 : memref<1x!tpu.dma_semaphore, #tpu.memory_space<semaphore_mem>> -> memref<!tpu.dma_semaphore, #tpu.memory_space<semaphore_mem>>
    tpu.wait_indirect_dma semaphore(%dma_wait3A_170 : memref<!tpu.dma_semaphore, #tpu.memory_space<semaphore_mem>>) src(%dma_wait3A_168 : memref<1000000x64xf32, #tpu.memory_space<hbm>>) dst(%dma_wait3A_162 : memref<128x64xf32, #tpu.memory_space<vmem>>)
    %dma_wait3A_171 = arith.constant 0 : i32
    %dma_wait3A_172 = arith.constant 2 : i32
    %dma_wait3A_173 = arith.constant 0 : i32
    %dma_wait3A_174 = arith.constant 0 : i32
    %dma_wait3A_175 = arith.constant 256 : i32
    %dma_wait3A_176 = arith.constant 0 : i32
    %dma_wait3A_177 = tpu.memref_slice %arg6[%dma_wait3A_173, %dma_wait3A_175, %dma_wait3A_176] : memref<2x512x64xf32, #tpu.memory_space<vmem>> -> memref<1x128x64xf32, #tpu.memory_space<vmem>>
    %dma_wait3A_178 = tpu.memref_squeeze %dma_wait3A_177 : memref<1x128x64xf32, #tpu.memory_space<vmem>> -> memref<128x64xf32, #tpu.memory_space<vmem>>
    %dma_wait3A_179 = arith.constant 0 : i32
    %dma_wait3A_180 = tpu.memref_slice %arg5[%dma_wait3A_171, %dma_wait3A_172, %dma_wait3A_179] : memref<2x4x128xi32, #tpu.memory_space<vmem>> -> memref<1x1x128xi32, #tpu.memory_space<vmem>>
    %dma_wait3A_181 = tpu.memref_squeeze %dma_wait3A_180 : memref<1x1x128xi32, #tpu.memory_space<vmem>> -> memref<128xi32, #tpu.memory_space<vmem>>
    %dma_wait3A_182 = arith.constant 0 : i32
    %dma_wait3A_183 = arith.constant 0 : i32
    %dma_wait3A_184 = tpu.memref_slice %arg3[%dma_wait3A_182, %dma_wait3A_183] : memref<1000000x64xf32, #tpu.memory_space<hbm>> -> memref<1000000x64xf32, #tpu.memory_space<hbm>>
    %dma_wait3A_185 = tpu.memref_slice %arg7[%dma_wait3A_174] : memref<2x!tpu.dma_semaphore, #tpu.memory_space<semaphore_mem>> -> memref<1x!tpu.dma_semaphore, #tpu.memory_space<semaphore_mem>>
    %dma_wait3A_186 = tpu.memref_squeeze %dma_wait3A_185 : memref<1x!tpu.dma_semaphore, #tpu.memory_space<semaphore_mem>> -> memref<!tpu.dma_semaphore, #tpu.memory_space<semaphore_mem>>
    tpu.wait_indirect_dma semaphore(%dma_wait3A_186 : memref<!tpu.dma_semaphore, #tpu.memory_space<semaphore_mem>>) src(%dma_wait3A_184 : memref<1000000x64xf32, #tpu.memory_space<hbm>>) dst(%dma_wait3A_178 : memref<128x64xf32, #tpu.memory_space<vmem>>)
    %dma_wait3A_187 = arith.constant 0 : i32
    %dma_wait3A_188 = arith.constant 3 : i32
    %dma_wait3A_189 = arith.constant 0 : i32
    %dma_wait3A_190 = arith.constant 0 : i32
    %dma_wait3A_191 = arith.constant 384 : i32
    %dma_wait3A_192 = arith.constant 0 : i32
    %dma_wait3A_193 = tpu.memref_slice %arg6[%dma_wait3A_189, %dma_wait3A_191, %dma_wait3A_192] : memref<2x512x64xf32, #tpu.memory_space<vmem>> -> memref<1x128x64xf32, #tpu.memory_space<vmem>>
    %dma_wait3A_194 = tpu.memref_squeeze %dma_wait3A_193 : memref<1x128x64xf32, #tpu.memory_space<vmem>> -> memref<128x64xf32, #tpu.memory_space<vmem>>
    %dma_wait3A_195 = arith.constant 0 : i32
    %dma_wait3A_196 = tpu.memref_slice %arg5[%dma_wait3A_187, %dma_wait3A_188, %dma_wait3A_195] : memref<2x4x128xi32, #tpu.memory_space<vmem>> -> memref<1x1x128xi32, #tpu.memory_space<vmem>>
    %dma_wait3A_197 = tpu.memref_squeeze %dma_wait3A_196 : memref<1x1x128xi32, #tpu.memory_space<vmem>> -> memref<128xi32, #tpu.memory_space<vmem>>
    %dma_wait3A_198 = arith.constant 0 : i32
    %dma_wait3A_199 = arith.constant 0 : i32
    %dma_wait3A_200 = tpu.memref_slice %arg3[%dma_wait3A_198, %dma_wait3A_199] : memref<1000000x64xf32, #tpu.memory_space<hbm>> -> memref<1000000x64xf32, #tpu.memory_space<hbm>>
    %dma_wait3A_201 = tpu.memref_slice %arg7[%dma_wait3A_190] : memref<2x!tpu.dma_semaphore, #tpu.memory_space<semaphore_mem>> -> memref<1x!tpu.dma_semaphore, #tpu.memory_space<semaphore_mem>>
    %dma_wait3A_202 = tpu.memref_squeeze %dma_wait3A_201 : memref<1x!tpu.dma_semaphore, #tpu.memory_space<semaphore_mem>> -> memref<!tpu.dma_semaphore, #tpu.memory_space<semaphore_mem>>
    tpu.wait_indirect_dma semaphore(%dma_wait3A_202 : memref<!tpu.dma_semaphore, #tpu.memory_space<semaphore_mem>>) src(%dma_wait3A_200 : memref<1000000x64xf32, #tpu.memory_space<hbm>>) dst(%dma_wait3A_194 : memref<128x64xf32, #tpu.memory_space<vmem>>)
    %add3A_203 = arith.constant 192 : i32
    %add3A_204 = arith.addi %mul3A_2, %add3A_203 : i32
    %mul3A_205 = arith.constant 128 : i32
    %mul3A_206 = arith.muli %add3A_204, %mul3A_205 : i32
    %dma_start3A_207 = arith.constant 0 : i32
    %dma_start3A_208 = arith.constant 0 : i32
    %dma_start3A_209 = arith.constant 0 : i32
    %dma_start3A_210 = arith.constant 0 : i32
    %dma_start3A_211 = tpu.memref_slice %arg6[%dma_start3A_207, %dma_start3A_209, %dma_start3A_210] : memref<2x512x64xf32, #tpu.memory_space<vmem>> -> memref<1x512x64xf32, #tpu.memory_space<vmem>>
    %dma_start3A_212 = tpu.memref_squeeze %dma_start3A_211 : memref<1x512x64xf32, #tpu.memory_space<vmem>> -> memref<512x64xf32, #tpu.memory_space<vmem>>
    %dma_start3A_213 = arith.constant 0 : i32
    %dma_start3A_214 = tpu.memref_slice %arg4[%mul3A_206, %dma_start3A_213] : memref<819200x64xf32, #tpu.memory_space<hbm>> -> memref<512x64xf32, #tpu.memory_space<hbm>>
    %dma_start3A_215 = tpu.memref_slice %arg8[%dma_start3A_208] : memref<2x!tpu.dma_semaphore, #tpu.memory_space<semaphore_mem>> -> memref<1x!tpu.dma_semaphore, #tpu.memory_space<semaphore_mem>>
    %dma_start3A_216 = tpu.memref_squeeze %dma_start3A_215 : memref<1x!tpu.dma_semaphore, #tpu.memory_space<semaphore_mem>> -> memref<!tpu.dma_semaphore, #tpu.memory_space<semaphore_mem>>
    %dma_start3A_217 = arith.constant 0 : i32
    %dma_start3A_218 = tpu.memref_slice %arg4[%mul3A_206, %dma_start3A_217] : memref<819200x64xf32, #tpu.memory_space<hbm>> -> memref<512x64xf32, #tpu.memory_space<hbm>>
    %dma_start3A_219 = arith.constant 0 : i32
    %dma_start3A_220 = arith.constant 0 : i32
    %dma_start3A_221 = tpu.memref_slice %arg6[%dma_start3A_207, %dma_start3A_219, %dma_start3A_220] : memref<2x512x64xf32, #tpu.memory_space<vmem>> -> memref<1x512x64xf32, #tpu.memory_space<vmem>>
    %dma_start3A_222 = tpu.memref_squeeze %dma_start3A_221 : memref<1x512x64xf32, #tpu.memory_space<vmem>> -> memref<512x64xf32, #tpu.memory_space<vmem>>
    tpu.enqueue_dma source(%dma_start3A_222 : memref<512x64xf32, #tpu.memory_space<vmem>>) target(%dma_start3A_218 : memref<512x64xf32, #tpu.memory_space<hbm>>) target_semaphore(%dma_start3A_216 : memref<!tpu.dma_semaphore, #tpu.memory_space<semaphore_mem>>)
    %dma_wait3A_223 = arith.constant 1 : i32
    %dma_wait3A_224 = arith.constant 0 : i32
    %dma_wait3A_225 = arith.constant 1 : i32
    %dma_wait3A_226 = arith.constant 1 : i32
    %dma_wait3A_227 = arith.constant 0 : i32
    %dma_wait3A_228 = arith.constant 0 : i32
    %dma_wait3A_229 = tpu.memref_slice %arg6[%dma_wait3A_225, %dma_wait3A_227, %dma_wait3A_228] : memref<2x512x64xf32, #tpu.memory_space<vmem>> -> memref<1x128x64xf32, #tpu.memory_space<vmem>>
    %dma_wait3A_230 = tpu.memref_squeeze %dma_wait3A_229 : memref<1x128x64xf32, #tpu.memory_space<vmem>> -> memref<128x64xf32, #tpu.memory_space<vmem>>
    %dma_wait3A_231 = arith.constant 0 : i32
    %dma_wait3A_232 = tpu.memref_slice %arg5[%dma_wait3A_223, %dma_wait3A_224, %dma_wait3A_231] : memref<2x4x128xi32, #tpu.memory_space<vmem>> -> memref<1x1x128xi32, #tpu.memory_space<vmem>>
    %dma_wait3A_233 = tpu.memref_squeeze %dma_wait3A_232 : memref<1x1x128xi32, #tpu.memory_space<vmem>> -> memref<128xi32, #tpu.memory_space<vmem>>
    %dma_wait3A_234 = arith.constant 0 : i32
    %dma_wait3A_235 = arith.constant 0 : i32
    %dma_wait3A_236 = tpu.memref_slice %arg3[%dma_wait3A_234, %dma_wait3A_235] : memref<1000000x64xf32, #tpu.memory_space<hbm>> -> memref<1000000x64xf32, #tpu.memory_space<hbm>>
    %dma_wait3A_237 = tpu.memref_slice %arg7[%dma_wait3A_226] : memref<2x!tpu.dma_semaphore, #tpu.memory_space<semaphore_mem>> -> memref<1x!tpu.dma_semaphore, #tpu.memory_space<semaphore_mem>>
    %dma_wait3A_238 = tpu.memref_squeeze %dma_wait3A_237 : memref<1x!tpu.dma_semaphore, #tpu.memory_space<semaphore_mem>> -> memref<!tpu.dma_semaphore, #tpu.memory_space<semaphore_mem>>
    tpu.wait_indirect_dma semaphore(%dma_wait3A_238 : memref<!tpu.dma_semaphore, #tpu.memory_space<semaphore_mem>>) src(%dma_wait3A_236 : memref<1000000x64xf32, #tpu.memory_space<hbm>>) dst(%dma_wait3A_230 : memref<128x64xf32, #tpu.memory_space<vmem>>)
    %dma_wait3A_239 = arith.constant 1 : i32
    %dma_wait3A_240 = arith.constant 1 : i32
    %dma_wait3A_241 = arith.constant 1 : i32
    %dma_wait3A_242 = arith.constant 1 : i32
    %dma_wait3A_243 = arith.constant 128 : i32
    %dma_wait3A_244 = arith.constant 0 : i32
    %dma_wait3A_245 = tpu.memref_slice %arg6[%dma_wait3A_241, %dma_wait3A_243, %dma_wait3A_244] : memref<2x512x64xf32, #tpu.memory_space<vmem>> -> memref<1x128x64xf32, #tpu.memory_space<vmem>>
    %dma_wait3A_246 = tpu.memref_squeeze %dma_wait3A_245 : memref<1x128x64xf32, #tpu.memory_space<vmem>> -> memref<128x64xf32, #tpu.memory_space<vmem>>
    %dma_wait3A_247 = arith.constant 0 : i32
    %dma_wait3A_248 = tpu.memref_slice %arg5[%dma_wait3A_239, %dma_wait3A_240, %dma_wait3A_247] : memref<2x4x128xi32, #tpu.memory_space<vmem>> -> memref<1x1x128xi32, #tpu.memory_space<vmem>>
    %dma_wait3A_249 = tpu.memref_squeeze %dma_wait3A_248 : memref<1x1x128xi32, #tpu.memory_space<vmem>> -> memref<128xi32, #tpu.memory_space<vmem>>
    %dma_wait3A_250 = arith.constant 0 : i32
    %dma_wait3A_251 = arith.constant 0 : i32
    %dma_wait3A_252 = tpu.memref_slice %arg3[%dma_wait3A_250, %dma_wait3A_251] : memref<1000000x64xf32, #tpu.memory_space<hbm>> -> memref<1000000x64xf32, #tpu.memory_space<hbm>>
    %dma_wait3A_253 = tpu.memref_slice %arg7[%dma_wait3A_242] : memref<2x!tpu.dma_semaphore, #tpu.memory_space<semaphore_mem>> -> memref<1x!tpu.dma_semaphore, #tpu.memory_space<semaphore_mem>>
    %dma_wait3A_254 = tpu.memref_squeeze %dma_wait3A_253 : memref<1x!tpu.dma_semaphore, #tpu.memory_space<semaphore_mem>> -> memref<!tpu.dma_semaphore, #tpu.memory_space<semaphore_mem>>
    tpu.wait_indirect_dma semaphore(%dma_wait3A_254 : memref<!tpu.dma_semaphore, #tpu.memory_space<semaphore_mem>>) src(%dma_wait3A_252 : memref<1000000x64xf32, #tpu.memory_space<hbm>>) dst(%dma_wait3A_246 : memref<128x64xf32, #tpu.memory_space<vmem>>)
    %dma_wait3A_255 = arith.constant 1 : i32
    %dma_wait3A_256 = arith.constant 2 : i32
    %dma_wait3A_257 = arith.constant 1 : i32
    %dma_wait3A_258 = arith.constant 1 : i32
    %dma_wait3A_259 = arith.constant 256 : i32
    %dma_wait3A_260 = arith.constant 0 : i32
    %dma_wait3A_261 = tpu.memref_slice %arg6[%dma_wait3A_257, %dma_wait3A_259, %dma_wait3A_260] : memref<2x512x64xf32, #tpu.memory_space<vmem>> -> memref<1x128x64xf32, #tpu.memory_space<vmem>>
    %dma_wait3A_262 = tpu.memref_squeeze %dma_wait3A_261 : memref<1x128x64xf32, #tpu.memory_space<vmem>> -> memref<128x64xf32, #tpu.memory_space<vmem>>
    %dma_wait3A_263 = arith.constant 0 : i32
    %dma_wait3A_264 = tpu.memref_slice %arg5[%dma_wait3A_255, %dma_wait3A_256, %dma_wait3A_263] : memref<2x4x128xi32, #tpu.memory_space<vmem>> -> memref<1x1x128xi32, #tpu.memory_space<vmem>>
    %dma_wait3A_265 = tpu.memref_squeeze %dma_wait3A_264 : memref<1x1x128xi32, #tpu.memory_space<vmem>> -> memref<128xi32, #tpu.memory_space<vmem>>
    %dma_wait3A_266 = arith.constant 0 : i32
    %dma_wait3A_267 = arith.constant 0 : i32
    %dma_wait3A_268 = tpu.memref_slice %arg3[%dma_wait3A_266, %dma_wait3A_267] : memref<1000000x64xf32, #tpu.memory_space<hbm>> -> memref<1000000x64xf32, #tpu.memory_space<hbm>>
    %dma_wait3A_269 = tpu.memref_slice %arg7[%dma_wait3A_258] : memref<2x!tpu.dma_semaphore, #tpu.memory_space<semaphore_mem>> -> memref<1x!tpu.dma_semaphore, #tpu.memory_space<semaphore_mem>>
    %dma_wait3A_270 = tpu.memref_squeeze %dma_wait3A_269 : memref<1x!tpu.dma_semaphore, #tpu.memory_space<semaphore_mem>> -> memref<!tpu.dma_semaphore, #tpu.memory_space<semaphore_mem>>
    tpu.wait_indirect_dma semaphore(%dma_wait3A_270 : memref<!tpu.dma_semaphore, #tpu.memory_space<semaphore_mem>>) src(%dma_wait3A_268 : memref<1000000x64xf32, #tpu.memory_space<hbm>>) dst(%dma_wait3A_262 : memref<128x64xf32, #tpu.memory_space<vmem>>)
    %dma_wait3A_271 = arith.constant 1 : i32
    %dma_wait3A_272 = arith.constant 3 : i32
    %dma_wait3A_273 = arith.constant 1 : i32
    %dma_wait3A_274 = arith.constant 1 : i32
    %dma_wait3A_275 = arith.constant 384 : i32
    %dma_wait3A_276 = arith.constant 0 : i32
    %dma_wait3A_277 = tpu.memref_slice %arg6[%dma_wait3A_273, %dma_wait3A_275, %dma_wait3A_276] : memref<2x512x64xf32, #tpu.memory_space<vmem>> -> memref<1x128x64xf32, #tpu.memory_space<vmem>>
    %dma_wait3A_278 = tpu.memref_squeeze %dma_wait3A_277 : memref<1x128x64xf32, #tpu.memory_space<vmem>> -> memref<128x64xf32, #tpu.memory_space<vmem>>
    %dma_wait3A_279 = arith.constant 0 : i32
    %dma_wait3A_280 = tpu.memref_slice %arg5[%dma_wait3A_271, %dma_wait3A_272, %dma_wait3A_279] : memref<2x4x128xi32, #tpu.memory_space<vmem>> -> memref<1x1x128xi32, #tpu.memory_space<vmem>>
    %dma_wait3A_281 = tpu.memref_squeeze %dma_wait3A_280 : memref<1x1x128xi32, #tpu.memory_space<vmem>> -> memref<128xi32, #tpu.memory_space<vmem>>
    %dma_wait3A_282 = arith.constant 0 : i32
    %dma_wait3A_283 = arith.constant 0 : i32
    %dma_wait3A_284 = tpu.memref_slice %arg3[%dma_wait3A_282, %dma_wait3A_283] : memref<1000000x64xf32, #tpu.memory_space<hbm>> -> memref<1000000x64xf32, #tpu.memory_space<hbm>>
    %dma_wait3A_285 = tpu.memref_slice %arg7[%dma_wait3A_274] : memref<2x!tpu.dma_semaphore, #tpu.memory_space<semaphore_mem>> -> memref<1x!tpu.dma_semaphore, #tpu.memory_space<semaphore_mem>>
    %dma_wait3A_286 = tpu.memref_squeeze %dma_wait3A_285 : memref<1x!tpu.dma_semaphore, #tpu.memory_space<semaphore_mem>> -> memref<!tpu.dma_semaphore, #tpu.memory_space<semaphore_mem>>
    tpu.wait_indirect_dma semaphore(%dma_wait3A_286 : memref<!tpu.dma_semaphore, #tpu.memory_space<semaphore_mem>>) src(%dma_wait3A_284 : memref<1000000x64xf32, #tpu.memory_space<hbm>>) dst(%dma_wait3A_278 : memref<128x64xf32, #tpu.memory_space<vmem>>)
    %add3A_287 = arith.constant 196 : i32
    %add3A_288 = arith.addi %mul3A_2, %add3A_287 : i32
    %mul3A_289 = arith.constant 128 : i32
    %mul3A_290 = arith.muli %add3A_288, %mul3A_289 : i32
    %dma_start3A_291 = arith.constant 1 : i32
    %dma_start3A_292 = arith.constant 1 : i32
    %dma_start3A_293 = arith.constant 0 : i32
    %dma_start3A_294 = arith.constant 0 : i32
    %dma_start3A_295 = tpu.memref_slice %arg6[%dma_start3A_291, %dma_start3A_293, %dma_start3A_294] : memref<2x512x64xf32, #tpu.memory_space<vmem>> -> memref<1x512x64xf32, #tpu.memory_space<vmem>>
    %dma_start3A_296 = tpu.memref_squeeze %dma_start3A_295 : memref<1x512x64xf32, #tpu.memory_space<vmem>> -> memref<512x64xf32, #tpu.memory_space<vmem>>
    %dma_start3A_297 = arith.constant 0 : i32
    %dma_start3A_298 = tpu.memref_slice %arg4[%mul3A_290, %dma_start3A_297] : memref<819200x64xf32, #tpu.memory_space<hbm>> -> memref<512x64xf32, #tpu.memory_space<hbm>>
    %dma_start3A_299 = tpu.memref_slice %arg8[%dma_start3A_292] : memref<2x!tpu.dma_semaphore, #tpu.memory_space<semaphore_mem>> -> memref<1x!tpu.dma_semaphore, #tpu.memory_space<semaphore_mem>>
    %dma_start3A_300 = tpu.memref_squeeze %dma_start3A_299 : memref<1x!tpu.dma_semaphore, #tpu.memory_space<semaphore_mem>> -> memref<!tpu.dma_semaphore, #tpu.memory_space<semaphore_mem>>
    %dma_start3A_301 = arith.constant 0 : i32
    %dma_start3A_302 = tpu.memref_slice %arg4[%mul3A_290, %dma_start3A_301] : memref<819200x64xf32, #tpu.memory_space<hbm>> -> memref<512x64xf32, #tpu.memory_space<hbm>>
    %dma_start3A_303 = arith.constant 0 : i32
    %dma_start3A_304 = arith.constant 0 : i32
    %dma_start3A_305 = tpu.memref_slice %arg6[%dma_start3A_291, %dma_start3A_303, %dma_start3A_304] : memref<2x512x64xf32, #tpu.memory_space<vmem>> -> memref<1x512x64xf32, #tpu.memory_space<vmem>>
    %dma_start3A_306 = tpu.memref_squeeze %dma_start3A_305 : memref<1x512x64xf32, #tpu.memory_space<vmem>> -> memref<512x64xf32, #tpu.memory_space<vmem>>
    tpu.enqueue_dma source(%dma_start3A_306 : memref<512x64xf32, #tpu.memory_space<vmem>>) target(%dma_start3A_302 : memref<512x64xf32, #tpu.memory_space<hbm>>) target_semaphore(%dma_start3A_300 : memref<!tpu.dma_semaphore, #tpu.memory_space<semaphore_mem>>)
    %add3A_307 = arith.constant 192 : i32
    %add3A_308 = arith.addi %mul3A_2, %add3A_307 : i32
    %mul3A_309 = arith.constant 128 : i32
    %mul3A_310 = arith.muli %add3A_308, %mul3A_309 : i32
    %dma_wait3A_311 = arith.constant 0 : i32
    %dma_wait3A_312 = arith.constant 0 : i32
    %dma_wait3A_313 = arith.constant 0 : i32
    %dma_wait3A_314 = arith.constant 0 : i32
    %dma_wait3A_315 = tpu.memref_slice %arg6[%dma_wait3A_311, %dma_wait3A_313, %dma_wait3A_314] : memref<2x512x64xf32, #tpu.memory_space<vmem>> -> memref<1x512x64xf32, #tpu.memory_space<vmem>>
    %dma_wait3A_316 = tpu.memref_squeeze %dma_wait3A_315 : memref<1x512x64xf32, #tpu.memory_space<vmem>> -> memref<512x64xf32, #tpu.memory_space<vmem>>
    %dma_wait3A_317 = arith.constant 0 : i32
    %dma_wait3A_318 = tpu.memref_slice %arg4[%mul3A_310, %dma_wait3A_317] : memref<819200x64xf32, #tpu.memory_space<hbm>> -> memref<512x64xf32, #tpu.memory_space<hbm>>
    %dma_wait3A_319 = tpu.memref_slice %arg8[%dma_wait3A_312] : memref<2x!tpu.dma_semaphore, #tpu.memory_space<semaphore_mem>> -> memref<1x!tpu.dma_semaphore, #tpu.memory_space<semaphore_mem>>
    %dma_wait3A_320 = tpu.memref_squeeze %dma_wait3A_319 : memref<1x!tpu.dma_semaphore, #tpu.memory_space<semaphore_mem>> -> memref<!tpu.dma_semaphore, #tpu.memory_space<semaphore_mem>>
    %dma_wait3A_321 = arith.constant 0 : i32
    %dma_wait3A_322 = tpu.memref_slice %arg4[%mul3A_310, %dma_wait3A_321] : memref<819200x64xf32, #tpu.memory_space<hbm>> -> memref<512x64xf32, #tpu.memory_space<hbm>>
    %dma_wait3A_323 = arith.constant 0 : i32
    %dma_wait3A_324 = arith.constant 0 : i32
    %dma_wait3A_325 = tpu.memref_slice %arg6[%dma_wait3A_311, %dma_wait3A_323, %dma_wait3A_324] : memref<2x512x64xf32, #tpu.memory_space<vmem>> -> memref<1x512x64xf32, #tpu.memory_space<vmem>>
    %dma_wait3A_326 = tpu.memref_squeeze %dma_wait3A_325 : memref<1x512x64xf32, #tpu.memory_space<vmem>> -> memref<512x64xf32, #tpu.memory_space<vmem>>
    tpu.wait_dma2 semaphore(%dma_wait3A_320 : memref<!tpu.dma_semaphore, #tpu.memory_space<semaphore_mem>>) src(%dma_wait3A_326 : memref<512x64xf32, #tpu.memory_space<vmem>>) dst(%dma_wait3A_322 : memref<512x64xf32, #tpu.memory_space<hbm>>)
    %add3A_327 = arith.constant 196 : i32
    %add3A_328 = arith.addi %mul3A_2, %add3A_327 : i32
    %mul3A_329 = arith.constant 128 : i32
    %mul3A_330 = arith.muli %add3A_328, %mul3A_329 : i32
    %dma_wait3A_331 = arith.constant 1 : i32
    %dma_wait3A_332 = arith.constant 1 : i32
    %dma_wait3A_333 = arith.constant 0 : i32
    %dma_wait3A_334 = arith.constant 0 : i32
    %dma_wait3A_335 = tpu.memref_slice %arg6[%dma_wait3A_331, %dma_wait3A_333, %dma_wait3A_334] : memref<2x512x64xf32, #tpu.memory_space<vmem>> -> memref<1x512x64xf32, #tpu.memory_space<vmem>>
    %dma_wait3A_336 = tpu.memref_squeeze %dma_wait3A_335 : memref<1x512x64xf32, #tpu.memory_space<vmem>> -> memref<512x64xf32, #tpu.memory_space<vmem>>
    %dma_wait3A_337 = arith.constant 0 : i32
    %dma_wait3A_338 = tpu.memref_slice %arg4[%mul3A_330, %dma_wait3A_337] : memref<819200x64xf32, #tpu.memory_space<hbm>> -> memref<512x64xf32, #tpu.memory_space<hbm>>
    %dma_wait3A_339 = tpu.memref_slice %arg8[%dma_wait3A_332] : memref<2x!tpu.dma_semaphore, #tpu.memory_space<semaphore_mem>> -> memref<1x!tpu.dma_semaphore, #tpu.memory_space<semaphore_mem>>
    %dma_wait3A_340 = tpu.memref_squeeze %dma_wait3A_339 : memref<1x!tpu.dma_semaphore, #tpu.memory_space<semaphore_mem>> -> memref<!tpu.dma_semaphore, #tpu.memory_space<semaphore_mem>>
    %dma_wait3A_341 = arith.constant 0 : i32
    %dma_wait3A_342 = tpu.memref_slice %arg4[%mul3A_330, %dma_wait3A_341] : memref<819200x64xf32, #tpu.memory_space<hbm>> -> memref<512x64xf32, #tpu.memory_space<hbm>>
    %dma_wait3A_343 = arith.constant 0 : i32
    %dma_wait3A_344 = arith.constant 0 : i32
    %dma_wait3A_345 = tpu.memref_slice %arg6[%dma_wait3A_331, %dma_wait3A_343, %dma_wait3A_344] : memref<2x512x64xf32, #tpu.memory_space<vmem>> -> memref<1x512x64xf32, #tpu.memory_space<vmem>>
    %dma_wait3A_346 = tpu.memref_squeeze %dma_wait3A_345 : memref<1x512x64xf32, #tpu.memory_space<vmem>> -> memref<512x64xf32, #tpu.memory_space<vmem>>
    tpu.wait_dma2 semaphore(%dma_wait3A_340 : memref<!tpu.dma_semaphore, #tpu.memory_space<semaphore_mem>>) src(%dma_wait3A_346 : memref<512x64xf32, #tpu.memory_space<vmem>>) dst(%dma_wait3A_342 : memref<512x64xf32, #tpu.memory_space<hbm>>)
    return
  }
}

</mosaic_0001>

<sc_bundles>
// kernel: kernel.3.cloned.1.call-start
scs
__scs_entry_jumppad:
0x0: {  	(pc) =	sbr.rel $0x88, $3  }
0x1: {  	(tag) =	ssettag $0x0;
	lr =	simm.s32 $0x1  }
0x2: {  	[smem:$0x3F9F] =	sst lr;
	_ =	strace $0xD0000000  }
0x3: {  	_ = 	snop  }
0x4: {  	_ = 	snop  }
0x5: {  	_ = 	snop  }
0x6: {  	_ = 	snop  }
0x7: {  	_ = 	snop  }
__scs_overlays_trampoline_lowered:
0x8: {  	[smem:$0x3FAE] =	sst s0  }
0x9: {  	[smem:$0x3FAF] =	sst s1  }
0xa: {  	[smem:$0x3FB0] =	sst s2  }
0xb: {  	[smem:$0x3FB1] =	sst s3  }
0xc: {  	[smem:$0x3FB2] =	sst s4  }
0xd: {  	[smem:$0x3FB3] =	sst s5  }
0xe: {  	[smem:$0x3FB4] =	sst s6  }
0xf: {  	[smem:$0x3FB5] =	sst s7  }
0x10: {  	[smem:$0x3FB6] =	sst s8  }
0x11: {  	[smem:$0x3FB7] =	sst s9;
	s0 =	simm.s32 @!p0 $0x0  }
0x12: {  	s1 =	sld [smem:$0x3F9D];
	s0 =	simm.s32 @p0 $0x1  }
0x13: {  	[smem:$0x3FB8] =	sst s0;
	s0 =	simm.s32 @!p1 $0x0  }
0x14: {  	s2 =	sld [smem:$0x3F9C];
	s0 =	simm.s32 @p1 $0x1  }
0x15: {  	[smem:$0x3FB9] =	sst s0;
	s0 =	simm.s32 @!p2 $0x0  }
0x16: {  	s3 =	sld [smem:$0x3FDB];
	s0 =	simm.s32 @p2 $0x1  }
0x17: {  	s4 =	simm.s32 $0x1BF5;
	[smem:$0x3FBB] =	sst s0  }
0x18: {  	s0 =	sld [smem:$0x3F9E];
	_ =	swait.ge [sflag:s4], $0x0  }
0x19: {  	s7 =	sld [smem:$0x3F9F]  }
0x1a: {  	s8 =	sadd.s32 $0xFFFFE003, lr  }
0x1b: {  	s9 =	sadd.s32 $0xFFFFFEF7, lr;
	s5 =	simm.s32 $0xFFFFFFFF;
	p2 =	slt.u32 s8, $0xFFFFF086  }
0x1c: {  	p1 =	slt.u32 s9, $0xF7A;
	s5 =	simm.s32 @!p2 $0x0  }
0x1d: {  	s5 =	simm.s32 @p1 $0x1;
	p0 =	seq.s32 s7, s2  }
0x1e: {  	s7 =	smul.u32 @!p0 $0xF7A, s2;
	p2 =	seq.s32 @!p0 s5, $0x0  }
0x1f: {  	s9 =	smul.u32 $0xF7A, s1;
	s8 =	simm.s32 @!p0 $0x1BF5;
	p2 =	por !p2, p0  }
0x20: {  	[sflag:s8] =	ssyncset.s32 @!p0 $0xFFFFF086;
	s6 =	sadd.s32 @!p0 s3, s7;
	s7 =	simm.s32 @!p0 $0x108  }
0x21: {  	s3 =	sadd.s32 s3, s9;
	s6 =	sadd.s32 @!p0 $0x88, s6;
	s7 =	simm.s32 @p2 $0x1082  }
0x22: {  	[simem:s7], [sflag:s8] =	dma.local @!p0 [hbm:s6], $0xF7A  }
0x23: {  	s9 =	sor.u32 $0xD0000000, s2;
	s6 =	simm.s32 $0x108;
	_ =	swait.ge @!p0 [sflag:s8], $0x0  }
0x24: {  	s3 =	sadd.s32 $0x88, s3;
	s6 =	simm.s32 @!p1 $0x1082;
	[sflag:s4] =	ssyncset.s32 $0xFFFFF086  }
0x25: {  	[simem:s6], [sflag:s4] =	dma.local [hbm:s3], $0xF7A  }
0x26: {  	[smem:$0x3F9F] =	sst s1;
	(tag) =	ssettag s2;
	_ =	strace s9  }
0x27: {  	s1 =	sld [smem:$0x3FAF]  }
0x28: {  	s2 =	sld [smem:$0x3FB0]  }
0x29: {  	s4 =	sld [smem:$0x3FB2]  }
0x2a: {  	p0 =	seq.s32 s5, $0x0;
	s5 =	sld [smem:$0x3FB3]  }
0x2b: {  	s6 =	sld [smem:$0x3FB4]  }
0x2c: {  	s7 =	sld [smem:$0x3FB5]  }
0x2d: {  	s3 =	simm.s32 $0x108;
	s8 =	sld [smem:$0x3FB6]  }
0x2e: {  	s3 =	simm.s32 @!p0 $0x1082;
	s9 =	sld [smem:$0x3FB7]  }
0x2f: {  	lr =	sadd.s32 s0, s3;
	s0 =	sld [smem:$0x3FAE]  }
0x30: {  	s3 =	sld [smem:$0x3FB1]  }
0x31: {  	[smem:$0x3FBA] =	sst s10  }
0x32: {  	s10 =	sld [smem:$0x3FB8];
	_ =	sdelay $0x3  }
0x33: {  	p0 =	seq.s32 s10, $0x1;
	s10 =	sld [smem:$0x3FBA];
	_ =	sdelay $0x3  }
0x34: {  	[smem:$0x3FBA] =	sst s10  }
0x35: {  	s10 =	sld [smem:$0x3FB9];
	_ =	sdelay $0x3  }
0x36: {  	p1 =	seq.s32 s10, $0x1;
	s10 =	sld [smem:$0x3FBA];
	_ =	sdelay $0x3  }
0x37: {  	[smem:$0x3FBA] =	sst s10  }
0x38: {  	s10 =	sld [smem:$0x3FBB]  }
0x39: {  	_ = 	snop;
	(pc) =	sbr.ind lr, $3  }
0x3a: {  	_ = 	snop  }
0x3b: {  	_ = 	snop  }
0x3c: {  	p2 =	seq.s32 s10, $0x1;
	s10 =	sld [smem:$0x3FBA]  }
0x3d: {  	_ =	shalt  }
0x3e: {  	_ =	shalt  }
0x3f: {  	_ =	shalt  }
0x40: {  	_ =	shalt  }
0x41: {  	_ =	shalt  }
0x42: {  	_ =	shalt  }
0x43: {  	_ =	shalt  }
0x44: {  	_ =	shalt  }
0x45: {  	_ =	shalt  }
0x46: {  	_ =	shalt  }
0x47: {  	_ =	shalt  }
0x48: {  	_ =	shalt  }
0x49: {  	_ =	shalt  }
0x4a: {  	_ =	shalt  }
0x4b: {  	_ =	shalt  }
0x4c: {  	_ =	shalt  }
0x4d: {  	_ =	shalt  }
0x4e: {  	_ =	shalt  }
0x4f: {  	_ =	shalt  }
0x50: {  	_ =	shalt  }
0x51: {  	_ =	shalt  }
0x52: {  	_ =	shalt  }
0x53: {  	_ =	shalt  }
0x54: {  	_ =	shalt  }
0x55: {  	_ =	shalt  }
0x56: {  	_ =	shalt  }
0x57: {  	_ =	shalt  }
0x58: {  	_ =	shalt  }
0x59: {  	_ =	shalt  }
0x5a: {  	_ =	shalt  }
0x5b: {  	_ =	shalt  }
0x5c: {  	_ =	shalt  }
0x5d: {  	_ =	shalt  }
0x5e: {  	_ =	shalt  }
0x5f: {  	_ =	shalt  }
0x60: {  	_ =	shalt  }
0x61: {  	_ =	shalt  }
0x62: {  	_ =	shalt  }
0x63: {  	_ =	shalt  }
0x64: {  	_ =	shalt  }
0x65: {  	_ =	shalt  }
0x66: {  	_ =	shalt  }
0x67: {  	_ =	shalt  }
0x68: {  	_ =	shalt  }
0x69: {  	_ =	shalt  }
0x6a: {  	_ =	shalt  }
0x6b: {  	_ =	shalt  }
0x6c: {  	_ =	shalt  }
0x6d: {  	_ =	shalt  }
0x6e: {  	_ =	shalt  }
0x6f: {  	_ =	shalt  }
0x70: {  	_ =	shalt  }
0x71: {  	_ =	shalt  }
0x72: {  	_ =	shalt  }
0x73: {  	_ =	shalt  }
0x74: {  	_ =	shalt  }
0x75: {  	_ =	shalt  }
0x76: {  	_ =	shalt  }
0x77: {  	_ =	shalt  }
0x78: {  	_ =	shalt  }
0x79: {  	_ =	shalt  }
0x7a: {  	_ =	shalt  }
0x7b: {  	_ =	shalt  }
0x7c: {  	_ =	shalt  }
0x7d: {  	_ =	shalt  }
0x7e: {  	_ =	shalt  }
0x7f: {  	_ =	shalt  }
0x80: {  	_ =	shalt  }
0x81: {  	_ =	shalt  }
0x82: {  	_ =	shalt  }
0x83: {  	_ =	shalt  }
0x84: {  	_ =	shalt  }
0x85: {  	_ =	shalt  }
0x86: {  	_ =	shalt  }
0x87: {  	_ =	shalt  }
.Lfunc_end0:
.L_simem_size_0:
called_computation.1_lowered:
.L_overlay_start_0:
0x88: {  	s2 =	sld [smem:$0x3FD9]  }
0x89: {  	s3 =	sld [smem:$0x3FFE];
	_ =	sdelay $0x1  }
0x8a: {  	s1 =	srdreg.scid  }
0x8b: {  	s0 =	sand.u32 $0x1, s1  }
0x8c: {  	s17 =	sshll.u32 s0, $0xA;
	s2 =	sadd.s32 s3, s2  }
0x8d: {  	s2 =	sadd.s32 s2, s17  }
0x8e: {  	[smem:$0x3FC6] =	sst s2  }
0x8f: {  	_ = 	snop  }
0x90: {  	s2 =	sld [smem:$0x3FD0];
	(tm) =	ssettm $0x1  }
0x91: {  	s18 =	sld [smem:$0x3FFB];
	_ =	sdelay $0x3  }
0x92: {  	_ =	strace s18  }
0x93: {  	s3 =	sld [smem:$0x3FFC];
	_ =	sdelay $0x3  }
0x94: {  	_ =	strace s3  }
0x95: {  	s3 =	sld [smem:$0x3FFD];
	_ =	sdelay $0x3  }
0x96: {  	_ =	strace s3  }
0x97: {  	_ =	strace $0x8FFFFFFF  }
0x98: {  	s19 =	sld [smem:$0x3FDB];
	_ =	sdelay $0x1  }
0x99: {  	s4 =	simm.s32 $_scs_section_size  }
0x9a: {  	s5 =	simm.s32 $_size__tile_overlayer_lowered;
	s6 =	simm.s32 $_tile_overlayer_lowered  }
0x9b: {  	s22 =	simm.s32 $0x1BFF;
	s21 =	sshll.u32 s6, $0x1;
	s3 =	sadd.s32 s4, s19  }
0x9c: {  	s7 =	simm.s32 $0x0;
	s20 =	sshll.u32 s5, $0x1;
	s5 =	sadd.s32 s21, s3  }
0x9d: {  	[timem:s7], [sflag:s22] =	dma.local [hbm:s5], s20  }
0x9e: {  	_ =	swait.ge [sflag:s22], s20  }
0x9f: {  	s4 =	ssub.s32 $0x0, s20;
	[sflag:s22] =	ssyncset.done $0x0  }
0xa0: {  	[sflag:s22] =	ssyncadd.s32 s4;
	_ =	sdelay $0x1  }
0xa1: {  	s23 =	simm.s32 $0x1B8B  }
0xa2: {  	_ =	swait.ge [sflag:s23], $0x1  }
0xa3: {  	[sflag:s23] =	ssyncset.done $0x0  }
0xa4: {  	s25 =	simm.s32 $0x1B8E;
	s24 =	sld [smem:$0x3FFE];
	[sflag:s23] =	ssyncadd.s32 $0xFFFFFFFF  }
0xa5: {  	s26 =	simm.s32 $execute0_lowered;
	[smem:$0x3FD2] =	sst s25  }
0xa6: {  	s5 =	sshll.u32 s26, $0x1;
	_ =	strace $0x80000046;
	[dreg:$0x1] =	wrdreg $0xFFFFFFFF  }
0xa7: {  	s28 =	simm.s32 $_size_execute0_lowered;
	s3 =	sadd.s32 s3, s5;
	[dreg:$0x0] =	wrdreg $0x0  }
0xa8: {  	s5 =	sshll.u32 s28, $0x1;
	[dreg:$0x2] =	wrdreg s3  }
0xa9: {  	[dreg:$0x3] =	wrdreg s5  }
0xaa: {  	[dreg:$0x4] =	wrdreg $0xC0  }
0xab: {  	_ =	task [dreg:s7], $0x5FFFF  }
0xac: {  	[dreg:$0x1] =	wrdreg $0xFFFFFFFF  }
0xad: {  	[dreg:$0x0] =	wrdreg $0x60  }
0xae: {  	[dreg:$0x2] =	wrdreg s24  }
0xaf: {  	[dreg:$0x3] =	wrdreg s2  }
0xb0: {  	[dreg:$0x4] =	wrdreg $0x9  }
0xb1: {  	_ =	task.clear_ibuf [dreg:s7], $0x5FFFF;
	_ =	strace $0x90000046  }
0xb2: {  	s29 =	simm.s32 $0x9;
	_ =	strace $0x80000048  }
0xb3: {  	_ =	swait.ge [sflag:s29], $0x1  }
0xb4: {  	[sflag:s29] =	ssyncadd.s32 $0xFFFFFFFF  }
0xb5: {  	_ =	strace $0x90000048  }
0xb6: {  	_ =	sfence  }
0xb7: {  	s30 =	sld [smem:$0x0];
	_ =	sdelay $0x2  }
0xb8: {  	s31 =	sshll.u32 s1, $0xD;
	s1 =	sshrl.u32 s1, $0x2  }
0xb9: {  	s3 =	sand.u32 $0x4000, s31;
	s1 =	sadd.s32 s1, s30  }
0xba: {  	s0 =	sor.u32 s3, s0;
	s1 =	sshll.u32 s1, $0x11  }
0xbb: {  	s0 =	sor.u32 s1, s0  }
0xbc: {  	s0 =	sadd.s32 $0x8F2B, s0  }
0xbd: {  	[sflag:s0] =	ssyncadd.remote.s32 $0x1  }
0xbe: {  	_ =	sfence.sel $0xFFFF  }
0xbf: {  	[dreg:$0x0] =	wrdreg $0xFFFFFFFF;
	(pc) =	sbr.abs _section_cstart, $3  }
0xc0: {  	[dreg:$0x1] =	wrdreg $0xFFFFFFFF  }
0xc1: {  	_ =	task.clear_ibuf [dreg:s7], $0x2FFFF;
	_ =	strace $0x9FFFFFFF  }
0xc2: {  	(tm) =	ssettm $0x7FFFFFFF  }
0xc3: {  	_ =	shalt  }
tec
execute0_lowered:
.L_overlay_start_1:
0x0: {  	(tag) =	ssettag $0x1  }
0x1: {  	s0 =	rddreg [dreg:$0x0]  }
0x2: {  	s1 =	srdreg.scid;
	s11 =	stileid.u32  }
0x3: {  	s4 =	rddreg [dreg:$0x1];
	s2 =	simm.s32 $0x0;
	s12 =	simm.s32 $0x5  }
0x4: {  	s13 =	simm.s32 $0x80;
	s14 =	simm.s32 $0x400;
	s15 =	simm.s32 $0x2400  }
0x5: {  	s16 =	simm.s32 $0x100;
	s28 =	simm.s32 $0xE400;
	s29 =	simm.s32 $0x1  }
0x6: {  	s30 =	simm.s32 $0x3;
	s31 =	simm.s32 $0x2;
	s10 =	smul.u32 $0x320000, s11  }
0x7: {  	s1 =	sand.u32 $0x1, s1;
	s3 =	sshll.u32 s11, $0x1;
	s18 =	smul.u32 $0x190, s11  }
0x8: {  	[smem:$0x7FF] =	sst s2;
	s9 =	sadd.s32 $0xA00, s0;
	s21 =	smul.u32 $0xC8, s1  }
0x9: {  	s3 =	sor.u32 s1, s3;
	s6 =	ssub.s32 $0x2, s1;
	s1 =	smul.u32 $0x190000, s1  }
0xa: {  	_ =	strace $0x80000047;
	s5 =	smul.u32 $0xC80, s3;
	s8 =	sshrl.u32 s6, $0x1  }
0xb: {  	s7 =	smul.u32 $0x190000, s3;
	s3 =	sadd.s32 $0xF42E00, s0;
	s17 =	ssub.s32 s6, s8  }
0xc: {  	s23 =	sadd.s32 s21, s18;
	s24 =	sadd.s32 s1, s10;
	s18 =	simm.s32 $0x180  }
0xd: {  	s21 =	simm.s32 $0x8400;
	s19 =	sadd.s32 s9, s5;
	s20 =	sshrl.u32 s7, $0x3  }
0xe: {  	s0 =	smax.u32 s17, $0x1;
	s25 =	sshll.u32 s23, $0x4;
	s17 =	simm.s32 $0x4400  }
0xf: {  	[dreg:$0x4] =	wrdreg s19;
	s8 =	sadd.s32 $0x40, s19;
	s5 =	sadd.s32 s4, s20  }
0x10: {  	[dreg:$0x8] =	wrdreg s0;
	s0 =	sshrl.u32 s24, $0x3;
	s1 =	sadd.s32 s9, s25  }
0x11: {  	s19 =	simm.s32 $0x6400;
	s20 =	simm.s32 $0x200;
	s24 =	simm.s32 $0x300  }
0x12: {  	s25 =	simm.s32 $0xC400;
	[dreg:$0x5] =	wrdreg s8;
	s22 =	sadd.s32 $0x30000, s5  }
0x13: {  	s5 =	sadd.s32 $0x31000, s5;
	s9 =	sadd.s32 s0, s4;
	s26 =	sadd.s32 $0xC0, s1  }
0x14: {  	s11 =	sadd.s32 $0x80, s1;
	s1 =	simm.s32 $0x4;
	[dreg:$0x6] =	wrdreg s22  }
0x15: {  	s0 =	simm.s32 $0x0;
	[dreg:$0x7] =	wrdreg s5;
	s5 =	sshll.u32 s23, $0xA  }
0x16: {  	[dreg:$0x3] =	wrdreg s26;
	s22 =	simm.s32 $0x280;
	s4 =	sadd.s32 s5, s4  }
0x17: {  	s23 =	simm.s32 $0xA400;
	s26 =	simm.s32 $0x380;
	s10 =	sadd.s32 $0x1000, s4  }
.LBB2_1:
0x18: {  	s4 =	rddreg [dreg:$0x4]  }
0x19: {  	[tilespmem:s2], [sflag:$0x5] =	stream.linear.gather [hbm4b:s4+s2], $0x200, $0x38;
	[tilespmem:$0x10400] =	vst v63  }
0x1a: {  	_ =	swait.ge [sflag:s12], $0x200  }
0x1b: {  	[sflag:s12] =	ssyncset.done $0x0  }
0x1c: {  	[sflag:s12] =	ssyncadd.s32 $0xFFFFFE00  }
0x1d: {  	[tilespmem:s14], [sflag:$0x1] =	stream.indirect.gather [hbm4b:s3+s13], $0x40, s2, s13, $0xb8;
	[tilespmem:$0x10400] =	vst v63  }
0x1e: {  	_ = 	snop  }
0x1f: {  	[tilespmem:s15], [sflag:$0x1] =	stream.indirect.gather [hbm4b:s3+s13], $0x40, s13, s13, $0xb8;
	[tilespmem:$0x10400] =	vst v63  }
0x20: {  	_ = 	snop  }
0x21: {  	[tilespmem:s17], [sflag:$0x1] =	stream.indirect.gather [hbm4b:s3+s13], $0x40, s16, s13, $0xb8;
	[tilespmem:$0x10400] =	vst v63  }
0x22: {  	_ = 	snop  }
0x23: {  	[tilespmem:s19], [sflag:$0x1] =	stream.indirect.gather [hbm4b:s3+s13], $0x40, s18, s13, $0xb8;
	[tilespmem:$0x10400] =	vst v63  }
0x24: {  	s6 =	rddreg [dreg:$0x5]  }
0x25: {  	[tilespmem:s20], [sflag:$0x5] =	stream.linear.gather [hbm4b:s6+s2], $0x200, $0x38;
	[tilespmem:$0x10400] =	vst v63  }
0x26: {  	_ =	swait.ge [sflag:s12], $0x200  }
0x27: {  	[sflag:s12] =	ssyncset.done $0x0  }
0x28: {  	[sflag:s12] =	ssyncadd.s32 $0xFFFFFE00  }
0x29: {  	[tilespmem:s21], [sflag:$0x2] =	stream.indirect.gather [hbm4b:s3+s13], $0x40, s20, s13, $0xb8;
	[tilespmem:$0x10400] =	vst v63  }
0x2a: {  	_ = 	snop  }
0x2b: {  	[tilespmem:s23], [sflag:$0x2] =	stream.indirect.gather [hbm4b:s3+s13], $0x40, s22, s13, $0xb8;
	[tilespmem:$0x10400] =	vst v63  }
0x2c: {  	_ = 	snop  }
0x2d: {  	[tilespmem:s25], [sflag:$0x2] =	stream.indirect.gather [hbm4b:s3+s13], $0x40, s24, s13, $0xb8;
	[tilespmem:$0x10400] =	vst v63  }
0x2e: {  	_ = 	snop  }
0x2f: {  	[tilespmem:s28], [sflag:$0x2] =	stream.indirect.gather [hbm4b:s3+s13], $0x40, s26, s13, $0xb8;
	[tilespmem:$0x10400] =	vst v63  }
0x30: {  	_ =	swait.ge [sflag:s29], $0x2000  }
0x31: {  	[sflag:s29] =	ssyncset.done $0x0  }
0x32: {  	[sflag:s29] =	ssyncadd.s32 $0xFFFFE000  }
0x33: {  	_ =	swait.ge [sflag:s29], $0x2000  }
0x34: {  	[sflag:s29] =	ssyncset.done $0x0  }
0x35: {  	[sflag:s29] =	ssyncadd.s32 $0xFFFFE000  }
0x36: {  	_ =	swait.ge [sflag:s29], $0x2000  }
0x37: {  	[sflag:s29] =	ssyncset.done $0x0  }
0x38: {  	[sflag:s29] =	ssyncadd.s32 $0xFFFFE000  }
0x39: {  	_ =	swait.ge [sflag:s29], $0x2000  }
0x3a: {  	[sflag:s29] =	ssyncset.done $0x0  }
0x3b: {  	[sflag:s29] =	ssyncadd.s32 $0xFFFFE000  }
0x3c: {  	[hbm4b:s9+s2] =	stream.linear.scatter [tilespmem:s14], [sflag:$0x3], $0x8000, $0x38;
	[tilespmem:$0x10400] =	vst v63  }
0x3d: {  	s7 =	sadd.s32 $0x0, s11  }
0x3e: {  	[tilespmem:s2], [sflag:$0x5] =	stream.linear.gather [hbm4b:s7+s2], $0x200, $0x38;
	[tilespmem:$0x10400] =	vst v63  }
0x3f: {  	_ =	swait.ge [sflag:s12], $0x200  }
0x40: {  	[sflag:s12] =	ssyncset.done $0x0  }
0x41: {  	[sflag:s12] =	ssyncadd.s32 $0xFFFFFE00  }
0x42: {  	_ =	swait.ge [sflag:s30], $0x8000  }
0x43: {  	[sflag:s30] =	ssyncset.done $0x0  }
0x44: {  	[sflag:s30] =	ssyncadd.s32 $0xFFFF8000  }
0x45: {  	[tilespmem:s14], [sflag:$0x1] =	stream.indirect.gather [hbm4b:s3+s13], $0x40, s2, s13, $0xb8;
	[tilespmem:$0x10400] =	vst v63  }
0x46: {  	_ = 	snop  }
0x47: {  	[tilespmem:s15], [sflag:$0x1] =	stream.indirect.gather [hbm4b:s3+s13], $0x40, s13, s13, $0xb8;
	[tilespmem:$0x10400] =	vst v63  }
0x48: {  	_ = 	snop  }
0x49: {  	[tilespmem:s17], [sflag:$0x1] =	stream.indirect.gather [hbm4b:s3+s13], $0x40, s16, s13, $0xb8;
	[tilespmem:$0x10400] =	vst v63  }
0x4a: {  	_ = 	snop  }
0x4b: {  	[tilespmem:s19], [sflag:$0x1] =	stream.indirect.gather [hbm4b:s3+s13], $0x40, s18, s13, $0xb8;
	[tilespmem:$0x10400] =	vst v63  }
0x4c: {  	_ =	swait.ge [sflag:s31], $0x2000  }
0x4d: {  	[sflag:s31] =	ssyncset.done $0x0  }
0x4e: {  	[sflag:s31] =	ssyncadd.s32 $0xFFFFE000  }
0x4f: {  	_ =	swait.ge [sflag:s31], $0x2000  }
0x50: {  	[sflag:s31] =	ssyncset.done $0x0  }
0x51: {  	[sflag:s31] =	ssyncadd.s32 $0xFFFFE000  }
0x52: {  	_ =	swait.ge [sflag:s31], $0x2000  }
0x53: {  	[sflag:s31] =	ssyncset.done $0x0  }
0x54: {  	[sflag:s31] =	ssyncadd.s32 $0xFFFFE000  }
0x55: {  	_ =	swait.ge [sflag:s31], $0x2000  }
0x56: {  	[sflag:s31] =	ssyncset.done $0x0  }
0x57: {  	s8 =	rddreg [dreg:$0x3];
	[sflag:s31] =	ssyncadd.s32 $0xFFFFE000  }
0x58: {  	[hbm4b:s10+s2] =	stream.linear.scatter [tilespmem:s21], [sflag:$0x4], $0x8000, $0x38;
	[tilespmem:$0x10400] =	vst v63  }
0x59: {  	s4 =	sadd.s32 $0x0, s8  }
0x5a: {  	[tilespmem:s20], [sflag:$0x5] =	stream.linear.gather [hbm4b:s4+s2], $0x200, $0x38;
	[tilespmem:$0x10400] =	vst v63  }
0x5b: {  	_ =	swait.ge [sflag:s12], $0x200  }
0x5c: {  	[sflag:s12] =	ssyncset.done $0x0  }
0x5d: {  	[sflag:s12] =	ssyncadd.s32 $0xFFFFFE00  }
0x5e: {  	_ =	swait.ge [sflag:s1], $0x8000  }
0x5f: {  	[sflag:s1] =	ssyncset.done $0x0  }
0x60: {  	[sflag:s1] =	ssyncadd.s32 $0xFFFF8000  }
0x61: {  	[tilespmem:s21], [sflag:$0x2] =	stream.indirect.gather [hbm4b:s3+s13], $0x40, s20, s13, $0xb8;
	[tilespmem:$0x10400] =	vst v63  }
0x62: {  	_ = 	snop  }
0x63: {  	[tilespmem:s23], [sflag:$0x2] =	stream.indirect.gather [hbm4b:s3+s13], $0x40, s22, s13, $0xb8;
	[tilespmem:$0x10400] =	vst v63  }
0x64: {  	s5 =	simm.s32 $0x80;
	s6 =	sadd.s32 $0x2000, s9;
	s7 =	sadd.s32 $0x2000, s10  }
0x65: {  	[tilespmem:s25], [sflag:$0x2] =	stream.indirect.gather [hbm4b:s3+s13], $0x40, s24, s13, $0xb8;
	[tilespmem:$0x10400] =	vst v63  }
.LBB2_2:
0x66: {  	[tilespmem:s28], [sflag:$0x2] =	stream.indirect.gather [hbm4b:s3+s13], $0x40, s26, s13, $0xb8;
	[tilespmem:$0x10400] =	vst v63  }
0x67: {  	_ =	swait.ge [sflag:s29], $0x2000  }
0x68: {  	[sflag:s29] =	ssyncset.done $0x0  }
0x69: {  	[sflag:s29] =	ssyncadd.s32 $0xFFFFE000  }
0x6a: {  	_ =	swait.ge [sflag:s29], $0x2000  }
0x6b: {  	[sflag:s29] =	ssyncset.done $0x0  }
0x6c: {  	[sflag:s29] =	ssyncadd.s32 $0xFFFFE000  }
0x6d: {  	_ =	swait.ge [sflag:s29], $0x2000  }
0x6e: {  	[sflag:s29] =	ssyncset.done $0x0  }
0x6f: {  	[sflag:s29] =	ssyncadd.s32 $0xFFFFE000  }
0x70: {  	_ =	swait.ge [sflag:s29], $0x2000  }
0x71: {  	[sflag:s29] =	ssyncset.done $0x0  }
0x72: {  	s4 =	smov.u32 s5;
	[sflag:s29] =	ssyncadd.s32 $0xFFFFE000  }
0x73: {  	[hbm4b:s6+s2] =	stream.linear.scatter [tilespmem:s14], [sflag:$0x3], $0x8000, $0x38;
	[tilespmem:$0x10400] =	vst v63  }
0x74: {  	s8 =	sadd.s32 s4, s11  }
0x75: {  	[tilespmem:s2], [sflag:$0x5] =	stream.linear.gather [hbm4b:s8+s2], $0x200, $0x38;
	[tilespmem:$0x10400] =	vst v63  }
0x76: {  	_ =	swait.ge [sflag:s12], $0x200  }
0x77: {  	[sflag:s12] =	ssyncset.done $0x0  }
0x78: {  	[sflag:s12] =	ssyncadd.s32 $0xFFFFFE00  }
0x79: {  	_ =	swait.ge [sflag:s30], $0x8000  }
0x7a: {  	[sflag:s30] =	ssyncset.done $0x0  }
0x7b: {  	[sflag:s30] =	ssyncadd.s32 $0xFFFF8000  }
0x7c: {  	[tilespmem:s14], [sflag:$0x1] =	stream.indirect.gather [hbm4b:s3+s13], $0x40, s2, s13, $0xb8;
	[tilespmem:$0x10400] =	vst v63  }
0x7d: {  	_ = 	snop  }
0x7e: {  	[tilespmem:s15], [sflag:$0x1] =	stream.indirect.gather [hbm4b:s3+s13], $0x40, s13, s13, $0xb8;
	[tilespmem:$0x10400] =	vst v63  }
0x7f: {  	_ = 	snop  }
0x80: {  	[tilespmem:s17], [sflag:$0x1] =	stream.indirect.gather [hbm4b:s3+s13], $0x40, s16, s13, $0xb8;
	[tilespmem:$0x10400] =	vst v63  }
0x81: {  	_ = 	snop  }
0x82: {  	[tilespmem:s19], [sflag:$0x1] =	stream.indirect.gather [hbm4b:s3+s13], $0x40, s18, s13, $0xb8;
	[tilespmem:$0x10400] =	vst v63  }
0x83: {  	_ =	swait.ge [sflag:s31], $0x2000  }
0x84: {  	[sflag:s31] =	ssyncset.done $0x0  }
0x85: {  	[sflag:s31] =	ssyncadd.s32 $0xFFFFE000  }
0x86: {  	_ =	swait.ge [sflag:s31], $0x2000  }
0x87: {  	[sflag:s31] =	ssyncset.done $0x0  }
0x88: {  	[sflag:s31] =	ssyncadd.s32 $0xFFFFE000  }
0x89: {  	_ =	swait.ge [sflag:s31], $0x2000  }
0x8a: {  	[sflag:s31] =	ssyncset.done $0x0  }
0x8b: {  	[sflag:s31] =	ssyncadd.s32 $0xFFFFE000  }
0x8c: {  	_ =	swait.ge [sflag:s31], $0x2000  }
0x8d: {  	[sflag:s31] =	ssyncset.done $0x0  }
0x8e: {  	s8 =	rddreg [dreg:$0x3];
	[sflag:s31] =	ssyncadd.s32 $0xFFFFE000  }
0x8f: {  	[hbm4b:s7+s2] =	stream.linear.scatter [tilespmem:s21], [sflag:$0x4], $0x8000, $0x38;
	[tilespmem:$0x10400] =	vst v63  }
0x90: {  	s4 =	sadd.s32 s4, s8  }
0x91: {  	[tilespmem:s20], [sflag:$0x5] =	stream.linear.gather [hbm4b:s4+s2], $0x200, $0x38;
	[tilespmem:$0x10400] =	vst v63  }
0x92: {  	_ =	swait.ge [sflag:s12], $0x200  }
0x93: {  	[sflag:s12] =	ssyncset.done $0x0  }
0x94: {  	[sflag:s12] =	ssyncadd.s32 $0xFFFFFE00  }
0x95: {  	_ =	swait.ge [sflag:s1], $0x8000  }
0x96: {  	[sflag:s1] =	ssyncset.done $0x0  }
0x97: {  	p0 =	sne.s32 s5, $0xB80;
	[sflag:s1] =	ssyncadd.s32 $0xFFFF8000  }
0x98: {  	[tilespmem:s21], [sflag:$0x2] =	stream.indirect.gather [hbm4b:s3+s13], $0x40, s20, s13, $0xb8;
	[tilespmem:$0x10400] =	vst v63  }
.Ltmp0:
0x99: {  	_ = 	snop;
	(pc) =	sbr.rel @p0 .LBB2_2-.Ltmp0, $4  }
0x9a: {  	_ = 	snop  }
0x9b: {  	[tilespmem:s23], [sflag:$0x2] =	stream.indirect.gather [hbm4b:s3+s13], $0x40, s22, s13, $0xb8;
	[tilespmem:$0x10400] =	vst v63  }
0x9c: {  	s5 =	sadd.s32 $0x80, s5;
	s6 =	sadd.s32 $0x2000, s6;
	s7 =	sadd.s32 $0x2000, s7  }
0x9d: {  	[tilespmem:s25], [sflag:$0x2] =	stream.indirect.gather [hbm4b:s3+s13], $0x40, s24, s13, $0xb8;
	[tilespmem:$0x10400] =	vst v63  }
0x9e: {  	[tilespmem:s28], [sflag:$0x2] =	stream.indirect.gather [hbm4b:s3+s13], $0x40, s26, s13, $0xb8;
	[tilespmem:$0x10400] =	vst v63  }
0x9f: {  	_ =	swait.ge [sflag:s29], $0x2000  }
0xa0: {  	[sflag:s29] =	ssyncset.done $0x0  }
0xa1: {  	[sflag:s29] =	ssyncadd.s32 $0xFFFFE000  }
0xa2: {  	_ =	swait.ge [sflag:s29], $0x2000  }
0xa3: {  	[sflag:s29] =	ssyncset.done $0x0  }
0xa4: {  	[sflag:s29] =	ssyncadd.s32 $0xFFFFE000  }
0xa5: {  	_ =	swait.ge [sflag:s29], $0x2000  }
0xa6: {  	[sflag:s29] =	ssyncset.done $0x0  }
0xa7: {  	[sflag:s29] =	ssyncadd.s32 $0xFFFFE000  }
0xa8: {  	_ =	swait.ge [sflag:s29], $0x2000  }
0xa9: {  	[sflag:s29] =	ssyncset.done $0x0  }
0xaa: {  	s4 =	rddreg [dreg:$0x6];
	[sflag:s29] =	ssyncadd.s32 $0xFFFFE000  }
0xab: {  	[hbm4b:s4+s2] =	stream.linear.scatter [tilespmem:s14], [sflag:$0x3], $0x8000, $0x38;
	[tilespmem:$0x10400] =	vst v63  }
0xac: {  	_ =	swait.ge [sflag:s31], $0x2000  }
0xad: {  	[sflag:s31] =	ssyncset.done $0x0  }
0xae: {  	[sflag:s31] =	ssyncadd.s32 $0xFFFFE000  }
0xaf: {  	_ =	swait.ge [sflag:s31], $0x2000  }
0xb0: {  	[sflag:s31] =	ssyncset.done $0x0  }
0xb1: {  	[sflag:s31] =	ssyncadd.s32 $0xFFFFE000  }
0xb2: {  	_ =	swait.ge [sflag:s31], $0x2000  }
0xb3: {  	[sflag:s31] =	ssyncset.done $0x0  }
0xb4: {  	[sflag:s31] =	ssyncadd.s32 $0xFFFFE000  }
0xb5: {  	_ =	swait.ge [sflag:s31], $0x2000  }
0xb6: {  	[sflag:s31] =	ssyncset.done $0x0  }
0xb7: {  	s7 =	rddreg [dreg:$0x7];
	[sflag:s31] =	ssyncadd.s32 $0xFFFFE000  }
0xb8: {  	[hbm4b:s7+s2] =	stream.linear.scatter [tilespmem:s21], [sflag:$0x4], $0x8000, $0x38;
	[tilespmem:$0x10400] =	vst v63  }
0xb9: {  	_ =	swait.ge [sflag:s30], $0x8000  }
0xba: {  	[sflag:s30] =	ssyncset.done $0x0  }
0xbb: {  	[sflag:s30] =	ssyncadd.s32 $0xFFFF8000  }
0xbc: {  	_ =	swait.ge [sflag:s1], $0x8000  }
0xbd: {  	s0 =	sadd.s32 $0x1, s0;
	s8 =	rddreg [dreg:$0x8]  }
0xbe: {  	p0 =	sne.s32 s0, s8  }
.Ltmp1:
0xbf: {  	_ = 	snop;
	(pc) =	sbr.rel @p0 .LBB2_1-.Ltmp1, $3  }
0xc0: {  	_ =	sdelay $0x1  }
0xc1: {  	[sflag:s1] =	ssyncset.done $0x0  }
0xc2: {  	[sflag:s1] =	ssyncadd.s32 $0xFFFF8000  }
0xc3: {  	_ =	sfence.sel $0x180000  }
0xc4: {  	[bflag:$0x0] =	sbarrier.arrive $0xFFFF  }
0xc5: {  	_ =	strace $0x90000047  }
0xc6: {  	s0 =	stileid.u32;
	[bflag:$0x2] =	sbarrier.arrive $0xFFFF  }
0xc7: {  	p0 =	sne.s32 s0, $0x0;
	s0 =	rddreg [dreg:$0x2]  }
0xc8: {  	s0 =	sadd.s32 @!p0 $0x100000, s0  }
0xc9: {  	[sflag:s0] =	ssyncadd.tile.s32 @!p0 $0x1;
	_ =	shalt  }
.Lfunc_end2:
_tile_overlayer_lowered:
.L_overlay_start_2:
0xca: {  	(tag) =	ssettag $0x2  }
0xcb: {  	s0 =	rddreg [dreg:$0x0];
	s2 =	stileid.u32  }
0xcc: {  	s1 =	rddreg [dreg:$0x1];
	p0 =	sne.s32 s2, $0x0  }
0xcd: {  	s3 =	rddreg [dreg:$0x2];
	[bflag:$0x3] =	sbarrier.arrive $0xFFFF;
	s2 =	simm.s32 @!p0 $0x1C05  }
0xce: {  	[timem:s3], [sflag:s2] =	dma.local @!p0 [hbm:s0], s1  }
0xcf: {  	s0 =	simm.s32 @!p0 $0x5  }
0xd0: {  	_ =	swait.ge @!p0 [sflag:s0], s1  }
0xd1: {  	s1 =	ssub.s32 @!p0 $0x0, s1;
	[sflag:s0] =	ssyncset.done @!p0 $0x0  }
0xd2: {  	[sflag:s0] =	ssyncadd.s32 @!p0 s1  }
0xd3: {  	[bflag:$0x3] =	sbarrier.arrive $0xFFFF  }
0xd4: {  	_ =	shalt  }

// kernel: sparse-core-data-format-call.cloned.1.call-start
scs
called_computation_lowered:
.L_overlay_start_0:
0x0: {  	s2 =	sld [smem:$0x3FD9]  }
0x1: {  	s3 =	sld [smem:$0x3FFE];
	_ =	sdelay $0x1  }
0x2: {  	s1 =	srdreg.scid  }
0x3: {  	s0 =	sand.u32 $0x1, s1  }
0x4: {  	s18 =	sshll.u32 s0, $0xA;
	s2 =	sadd.s32 s3, s2  }
0x5: {  	s2 =	sadd.s32 s2, s18  }
0x6: {  	[smem:$0x3FC6] =	sst s2  }
0x7: {  	_ = 	snop  }
0x8: {  	s2 =	sld [smem:$0x3FD0];
	(tm) =	ssettm $0x1  }
0x9: {  	s19 =	sld [smem:$0x3FFB];
	_ =	sdelay $0x3  }
0xa: {  	_ =	strace s19  }
0xb: {  	s3 =	sld [smem:$0x3FFC];
	_ =	sdelay $0x3  }
0xc: {  	_ =	strace s3  }
0xd: {  	s3 =	sld [smem:$0x3FFD];
	_ =	sdelay $0x3  }
0xe: {  	_ =	strace s3  }
0xf: {  	_ =	strace $0x8FFFFFFF  }
0x10: {  	s20 =	sld [smem:$0x3FDB];
	_ =	sdelay $0x1  }
0x11: {  	s4 =	simm.s32 $_scs_section_size  }
0x12: {  	s5 =	simm.s32 $_size__tile_overlayer_lowered;
	s6 =	simm.s32 $_tile_overlayer_lowered  }
0x13: {  	s23 =	simm.s32 $0x1BFF;
	s22 =	sshll.u32 s6, $0x1;
	s3 =	sadd.s32 s4, s20  }
0x14: {  	s7 =	simm.s32 $0x0;
	s21 =	sshll.u32 s5, $0x1;
	s5 =	sadd.s32 s22, s3  }
0x15: {  	[timem:s7], [sflag:s23] =	dma.local [hbm:s5], s21  }
0x16: {  	_ =	swait.ge [sflag:s23], s21  }
0x17: {  	s4 =	ssub.s32 $0x0, s21;
	[sflag:s23] =	ssyncset.done $0x0  }
0x18: {  	[sflag:s23] =	ssyncadd.s32 s4;
	_ =	sdelay $0x1  }
0x19: {  	s24 =	simm.s32 $0x1B8B  }
0x1a: {  	_ =	swait.ge [sflag:s24], $0x1  }
0x1b: {  	[sflag:s24] =	ssyncset.done $0x0  }
0x1c: {  	s26 =	simm.s32 $0x1B8E;
	s25 =	sld [smem:$0x3FFE];
	[sflag:s24] =	ssyncadd.s32 $0xFFFFFFFF  }
0x1d: {  	s27 =	simm.s32 $execute0_lowered;
	[smem:$0x3FD2] =	sst s26  }
0x1e: {  	s5 =	sshll.u32 s27, $0x1;
	_ =	strace $0x80000049;
	[dreg:$0x1] =	wrdreg $0xFFFFFFFF  }
0x1f: {  	s28 =	simm.s32 $_size_execute0_lowered;
	s3 =	sadd.s32 s3, s5;
	[dreg:$0x0] =	wrdreg $0x0  }
0x20: {  	s5 =	sshll.u32 s28, $0x1;
	[dreg:$0x2] =	wrdreg s3  }
0x21: {  	[dreg:$0x3] =	wrdreg s5  }
0x22: {  	[dreg:$0x4] =	wrdreg $0xC0  }
0x23: {  	_ =	task [dreg:s7], $0x5FFFF  }
0x24: {  	[dreg:$0x1] =	wrdreg $0xFFFFFFFF  }
0x25: {  	[dreg:$0x0] =	wrdreg $0x60  }
0x26: {  	[dreg:$0x2] =	wrdreg s25  }
0x27: {  	[dreg:$0x3] =	wrdreg s2  }
0x28: {  	[dreg:$0x4] =	wrdreg $0x9  }
0x29: {  	_ =	task.clear_ibuf [dreg:s7], $0x5FFFF;
	_ =	strace $0x90000049  }
0x2a: {  	s29 =	simm.s32 $0x9;
	_ =	strace $0x8000004B  }
0x2b: {  	_ =	swait.ge [sflag:s29], $0x1  }
0x2c: {  	[sflag:s29] =	ssyncadd.s32 $0xFFFFFFFF  }
0x2d: {  	_ =	strace $0x9000004B  }
0x2e: {  	_ =	sfence  }
0x2f: {  	s30 =	sld [smem:$0x0];
	_ =	sdelay $0x2  }
0x30: {  	s31 =	sshll.u32 s1, $0xD;
	s1 =	sshrl.u32 s1, $0x2  }
0x31: {  	s3 =	sand.u32 $0x4000, s31;
	s1 =	sadd.s32 s1, s30  }
0x32: {  	s0 =	sor.u32 s3, s0;
	s1 =	sshll.u32 s1, $0x11  }
0x33: {  	s0 =	sor.u32 s1, s0  }
0x34: {  	s0 =	sadd.s32 $0x8F2B, s0  }
0x35: {  	[sflag:s0] =	ssyncadd.remote.s32 $0x1  }
0x36: {  	_ =	sfence.sel $0xFFFF  }
0x37: {  	[dreg:$0x0] =	wrdreg $0xFFFFFFFF;
	(pc) =	sbr.abs _section_cstart, $3  }
0x38: {  	[dreg:$0x1] =	wrdreg $0xFFFFFFFF  }
0x39: {  	_ =	task.clear_ibuf [dreg:s7], $0x2FFFF;
	_ =	strace $0x9FFFFFFF  }
0x3a: {  	(tm) =	ssettm $0x7FFFFFFF  }
0x3b: {  	_ =	shalt  }
tec
execute0_lowered:
.L_overlay_start_1:
0x0: {  	(tag) =	ssettag $0x1  }
0x1: {  	s0 =	srdreg.scid  }
0x2: {  	s1 =	sshll.u32 s0, $0x4  }
0x3: {  	s0 =	stileid.u32;
	s1 =	sand.u32 $0x10, s1  }
0x4: {  	s1 =	sor.u32 s0, s1  }
0x5: {  	s6 =	rddreg [dreg:$0x0];
	s4 =	simm.s32 $0x1;
	s2 =	sshll.u32 s1, $0x7  }
0x6: {  	s7 =	simm.s32 $0x2;
	s12 =	simm.s32 $0x0;
	s1 =	ssub.s32 $0x4000, s2  }
0x7: {  	s8 =	simm.s32 $0x20000;
	s13 =	simm.s32 $0x0;
	s3 =	sand.u32 $0xF80, s1  }
0x8: {  	s9 =	simm.s32 $0x0;
	s5 =	sshrl.u32 s1, $0xC;
	p0 =	sne.s32 s3, $0x0  }
.Ltmp0:
0x9: {  	s1 =	rddreg [dreg:$0x2];
	s4 =	simm.s32 @!p0 $0x0;
	(pc) =	sbr.rel .LBB1_1-.Ltmp0, $4  }
0xa: {  	s11 =	simm.s32 $0x0;
	s3 =	rddreg [dreg:$0x1];
	s5 =	sadd.s32 s4, s5  }
0xb: {  	_ =	strace $0x8000004A;
	s4 =	simm.s32 $0x1;
	s5 =	smul.u32 $0x32, s5  }
0xc: {  	s6 =	sadd.s32 $0xA00, s6;
	s10 =	smov.u32 s2;
	[sflag:s4] =	ssyncpa.u1 $0x0  }
0xd: {  	p0 =	por $0x0, $0x0;
	[sflag:s7] =	ssyncpa.u1 $0x0;
	s7 =	sor.u32 $0x1, s5  }
.LBB1_4:
0xe: {  	s16 =	sshll.u32 s13, $0x3;
	s17 =	sand.u32 $0x78, s13  }
0xf: {  	s30 =	sand.u32 $0x1F800, s13;
	s12 =	sshll.u32 s12, $0x11;
	s16 =	sand.u32 $0x3C00, s16  }
0x10: {  	[tilespmem:s15+$0x810 ss:$0x81] =	vst.msk $0xffff, v2;
	s31 =	sand.u32 $0x7, s13;
	s16 =	sor.u32 s17, s16;
	s17 =	sadd.s32 s3, s30  }
0x11: {  	[tilespmem:s15+$0x1020 ss:$0x81] =	vst.msk $0xffff, v0;
	s13 =	sshll.u32 s31, $0x12;
	s12 =	sadd.s32 s12, s17;
	s16 =	sshrl.u32 s16, $0x3  }
0x12: {  	[tilespmem:s15+$0x0 ss:$0x81] =	vst.msk $0xffff, v1;
	s13 =	sor.u32 $0x400, s13;
	s12 =	sadd.s32 s16, s12  }
0x13: {  	[hbm4b:s12+s13] =	stream.strided.scatter [tilespmem:s14], [sflag:$0x2], $0x2000, s8, s13, $0x20;
	[tilespmem:$0x8080] =	vst v63  }
.LBB1_5:
0x14: {  	s14 =	sadd.s32 $0x1, s9  }
0x15: {  	s12 =	sadd.s32 $0x1000, s10;
	s16 =	smov.u32 s10;
	p2 =	sgt.s32 s14, $0x31  }
0x16: {  	s16 =	smov.u32 @p2 s12  }
0x17: {  	s14 =	simm.s32 @p2 $0x0;
	p2 =	sgt.s32 s16, $0x3FFF  }
0x18: {  	s16 =	smov.u32 @p2 s2;
	p2 =	sne.s32 s11, s7  }
.Ltmp1:
0x19: {  	p1 =	slt.u32 s11, $0x2;
	(pc) =	sbr.rel @!p2 .LBB1_6-.Ltmp1, $4  }
0x1a: {  	s15 =	simm.s32 @!p1 $0x2  }
0x1b: {  	s13 =	smov.u32 s10;
	p0 =	por !p0, !p0;
	_ =	swait.ge @!p1 [sflag:s15], $0x2000  }
0x1c: {  	s12 =	smov.u32 s9;
	[sflag:s15] =	ssyncset.done @!p1 $0x0;
	s9 =	smov.u32 s14  }
0x1d: {  	s11 =	sadd.s32 $0x1, s11;
	[sflag:s15] =	ssyncadd.s32 @!p1 $0xFFFFE000;
	s10 =	smov.u32 s16  }
.LBB1_1:
0x1e: {  	p1 =	sge.u32 s11, s5  }
0x1f: {  	s14 =	sand.u32 @!p1 $0x1FFFFFF, s9  }
0x20: {  	s15 =	smulhi.u32 @!p1 $0x4924925, s14;
	_ =	sdelay $0x1  }
0x21: {  	s15 =	smul.u32 @!p1 $0x38, s15  }
0x22: {  	s16 =	sxor.u32 @!p1 $0xFFFFFFFF, s11;
	s17 =	smul.u32 @!p1 $0x380, s10  }
0x23: {  	s31 =	sadd.s32 $0xFFFFFFFF, s11;
	s16 =	sshll.u32 @!p1 s16, $0xD;
	s14 =	ssub.s32 @!p1 s14, s15  }
0x24: {  	s15 =	sand.u32 @!p1 $0x2000, s16;
	s16 =	sadd.s32 @!p1 s6, s17;
	s14 =	sshll.u32 @!p1 s14, $0x4  }
0x25: {  	s17 =	simm.s32 @!p1 $0x1C00;
	s14 =	sadd.s32 @!p1 s14, s16;
	s16 =	simm.s32 @!p1 $0x40  }
0x26: {  	[tilespmem:s15], [sflag:$0x1] =	stream.strided.gather @!p1 [hbm4b:s14+s16], $0x2000, s17, s16, $0x38;
	[tilespmem:$0x8080] =	vst v63  }
0x27: {  	p1 =	sge.u32 s31, s5  }
.Ltmp2:
0x28: {  	_ = 	snop;
	(pc) =	sbr.rel @p1 .LBB1_5-.Ltmp2, $1  }
0x29: {  	_ =	sdelay $0x3  }
0x2a: {  	s14 =	simm.s32 $0x1  }
0x2b: {  	_ =	swait.ge [sflag:s4], $0x2000;
	s14 =	simm.s32 @!p0 $0x0  }
0x2c: {  	[sflag:s4] =	ssyncset.done $0x0;
	s15 =	sshll.u32 s14, $0xD  }
0x2d: {  	[sflag:s4] =	ssyncadd.s32 $0xFFFFE000;
	s18 =	sor.u32 $0x20, s15  }
0x2e: {  	s14 =	smul.u32 $0x8100, s14;
	v3 =	vld [tilespmem:s18+$0x10]  }
0x2f: {  	s30 =	sand.u32 $0x1, s11;
	v2 =	vld [tilespmem:s18+$0xFFFFFFF0]  }
0x30: {  	s15 =	smul.u32 $0x8100, s30;
	s14 =	sshrl.u32 s14, $0x2;
	v0 =	vld [tilespmem:s18+$0x0]  }
0x31: {  	v1 =	vld [tilespmem:s18+$0xFFFFFFE0];
	s16 =	sor.u32 $0x4000, s14  }
0x32: {  	s31 =	sshrl.u32 s15, $0x2;
	s15 =	sadd.s32 $0x0, s16  }
0x33: {  	s17 =	simm.s32 $0x4;
	s18 =	sadd.s32 $0x40, s18;
	s14 =	sor.u32 $0x4000, s31;
	[tilespmem:s15+$0x1830 ss:$0x81] =	vst.msk $0xffff, v3  }
.LBB1_3:
0x34: {  	v3 =	vld [tilespmem:s18+$0x10];
	p1 =	sne.s32 s17, $0x1FC;
	[tilespmem:s15+$0x810 ss:$0x81] =	vst.msk $0xffff, v2;
	s19 =	smov.u32 s17;
	s17 =	sadd.s32 $0x4, s17  }
.Ltmp3:
0x35: {  	v2 =	vld [tilespmem:s18+$0xFFFFFFF0];
	[tilespmem:s15+$0x1020 ss:$0x81] =	vst.msk $0xffff, v0;
	(pc) =	sbr.rel @p1 .LBB1_3-.Ltmp3, $4  }
0x36: {  	v0 =	vld [tilespmem:s18+$0x0];
	[tilespmem:s15+$0x0 ss:$0x81] =	vst.msk $0xffff, v1  }
0x37: {  	s15 =	sshra.s32 s19, $0x2;
	v1 =	vld [tilespmem:s18+$0xFFFFFFE0]  }
0x38: {  	s15 =	sadd.s32 s15, s16  }
0x39: {  	s18 =	sadd.s32 $0x40, s18;
	[tilespmem:s15+$0x1830 ss:$0x81] =	vst.msk $0xffff, v3  }
.Ltmp4:
0x3a: {  	_ = 	snop;
	(pc) =	sbr.rel .LBB1_4-.Ltmp4, $1  }
0x3b: {  	_ =	sdelay $0x3  }
.LBB1_6:
0x3c: {  	_ =	sfence.sel $0x180000  }
0x3d: {  	s2 =	simm.s32 $0x1;
	[bflag:$0x0] =	sbarrier.arrive $0xFFFF  }
0x3e: {  	s31 =	simm.s32 $0x2;
	[sflag:s2] =	ssyncpa.u1 $0x1  }
0x3f: {  	[sflag:s31] =	ssyncpa.u1 $0x1  }
0x40: {  	p0 =	sne.s32 s0, $0x0;
	_ =	strace $0x9000004A  }
0x41: {  	s0 =	sadd.s32 @!p0 $0x100000, s1;
	[bflag:$0x2] =	sbarrier.arrive $0xFFFF  }
0x42: {  	[sflag:s0] =	ssyncadd.tile.s32 @!p0 $0x1;
	_ =	shalt  }
.Lfunc_end1:
_tile_overlayer_lowered:
.L_overlay_start_2:
0x43: {  	(tag) =	ssettag $0x2  }
0x44: {  	s0 =	rddreg [dreg:$0x0];
	s2 =	stileid.u32  }
0x45: {  	s1 =	rddreg [dreg:$0x1];
	p0 =	sne.s32 s2, $0x0  }
0x46: {  	s3 =	rddreg [dreg:$0x2];
	[bflag:$0x3] =	sbarrier.arrive $0xFFFF;
	s2 =	simm.s32 @!p0 $0x1C01  }
0x47: {  	[timem:s3], [sflag:s2] =	dma.local @!p0 [hbm:s0], s1  }
0x48: {  	s0 =	simm.s32 @!p0 $0x1  }
0x49: {  	_ =	swait.ge @!p0 [sflag:s0], s1  }
0x4a: {  	s1 =	ssub.s32 @!p0 $0x0, s1;
	[sflag:s0] =	ssyncset.done @!p0 $0x0  }
0x4b: {  	[sflag:s0] =	ssyncadd.s32 @!p0 s1  }
0x4c: {  	[bflag:$0x3] =	sbarrier.arrive $0xFFFF  }
0x4d: {  	_ =	shalt  }

</sc_bundles>
